<compile_context>
chip_gen: v7x
topology: tpu7x:2x2x1
jax: 0.10.2.dev20260603
libtpu: 0.0.44.dev20260713+nightly
codegen_flags: <defaults>
</compile_context>

<pallas_src>
import functools

import numpy as np
import jax
import jax.numpy as jnp
from jax import lax
from jax.experimental import pallas as pl
from jax.experimental.pallas import tpu as pltpu
from jax.experimental.pallas import tpu_sc as plsc

N_TOTAL = 100000
D_MODEL = 2048
D_EMB = 128
BATCH = 1024
M_NOISE = 4096
GAMMA = 0.5
TAU = 0.07
Z = np.float32(2876934.2 / 1281167 * N_TOTAL)
C0E = np.float32(M_NOISE * (1.0 / N_TOTAL) + 1e-07)
LOG_C0 = np.float32(np.log(M_NOISE * (1.0 / N_TOTAL)))

NC, NS = 2, 16
NW = NC * NS
CS = 32768
ROWS_W = BATCH // NW



def _tf2x32(k1, k2, x0, x1):
    k1 = np.uint32(k1)
    k2 = np.uint32(k2)
    ks = (k1, k2, np.uint32(k1 ^ k2 ^ np.uint32(0x1BD11BDA)))
    rot = (np.array([13, 15, 26, 6]), np.array([17, 29, 16, 24]))
    x0 = x0.astype(np.uint32) + ks[0]
    x1 = x1.astype(np.uint32) + ks[1]

    def rl(x, d):
        return (x << np.uint32(d)) | (x >> np.uint32(32 - d))

    for i in range(5):
        for r in rot[i % 2]:
            x0 = x0 + x1
            x1 = rl(x1, r)
            x1 = x0 ^ x1
        x0 = x0 + ks[(i + 1) % 3]
        x1 = x1 + ks[(i + 2) % 3] + np.uint32(i + 1)
    return x0, x1


def _np_randint_fixed_key(shape, n_total, seed=12345):
    size = int(np.prod(shape))
    b1, b2 = _tf2x32(np.uint32(seed >> 32), np.uint32(seed & 0xFFFFFFFF),
                     np.zeros(2, np.uint32), np.arange(2, dtype=np.uint32))
    subkeys = [(b1[i], b2[i]) for i in range(2)]

    def bits(key):
        a, b = _tf2x32(key[0], key[1], np.zeros(size, np.uint32),
                       np.arange(size, dtype=np.uint32))
        return a ^ b

    higher, lower = bits(subkeys[0]), bits(subkeys[1])
    span = np.uint32(n_total)
    with np.errstate(over="ignore"):
        m0 = np.uint32(2 ** 16) % span
        mult = (m0 * m0) % span
        off = ((higher % span) * mult + (lower % span)) % span
    return off.astype(np.int32).reshape(shape)


_RIDX = _np_randint_fixed_key((BATCH, M_NOISE), N_TOTAL)

_G = 4
_KR = N_TOTAL // _G

_k_flat = _RIDX.reshape(-1).astype(np.int64)
_i_flat = np.repeat(np.arange(BATCH, dtype=np.int64), M_NOISE)
_GROUPS = []
for _g in range(_G):
    _sel = (_k_flat >= _g * _KR) & (_k_flat < (_g + 1) * _KR)
    _loc = ((_k_flat[_sel] - _g * _KR) * BATCH
            + _i_flat[_sel]).astype(np.int32)
    _size = int(_loc.size)
    _padded = -(-_size // (NW * 32)) * (NW * 32)
    _loc = np.concatenate(
        [_loc, np.full(_padded - _size, _loc[0], np.int32)])
    _GROUPS.append((_loc, _size, _padded))



def _emb_body(o_ref, w_ref, b_ref, emb_ref, embh_ref):
    x = lax.dot_general(o_ref[...], w_ref[...], (((1,), (1,)), ((), ())),
                        preferred_element_type=jnp.float32,
                        precision=lax.Precision.HIGHEST)
    x = x + b_ref[...]
    e = x / jnp.sqrt(jnp.sum(x * x, axis=1, keepdims=True))
    emb_ref[...] = e
    embh_ref[...] = e.astype(jnp.bfloat16)


def _emb_kernel(outputs, W, b2):
    return pl.pallas_call(
        _emb_body,
        out_shape=(jax.ShapeDtypeStruct((BATCH, D_EMB), jnp.float32),
                   jax.ShapeDtypeStruct((BATCH, D_EMB), jnp.bfloat16)),
    )(outputs, W, b2)



_KB = 1000


def _score_body(mb_ref, embh_ref, s_ref):
    s = lax.dot_general(
        mb_ref[...].astype(jnp.bfloat16), embh_ref[...],
        (((1,), (1,)), ((), ())), preferred_element_type=jnp.float32)
    s_ref[...] = s.reshape(_KB * BATCH)


def _score_kernel(memory_bank, embh, g):
    off = g * (_KR // _KB)
    return pl.pallas_call(
        _score_body,
        grid=(_KR // _KB,),
        in_specs=[pl.BlockSpec((_KB, D_EMB), lambda i: (off + i, 0)),
                  pl.BlockSpec((BATCH, D_EMB), lambda i: (0, 0))],
        out_specs=pl.BlockSpec((_KB * BATCH,), lambda i: (i,)),
        out_shape=jax.ShapeDtypeStruct((_KR * BATCH,), jnp.float32),
    )(memory_bank, embh)



@functools.lru_cache(maxsize=None)
def _noise_gather_kernel(npw):
    fc, tail = divmod(npw, CS)
    mesh = plsc.VectorSubcoreMesh(core_axis_name="c", subcore_axis_name="s")
    scratch = [
        pltpu.VMEM((CS,), jnp.int32),
        pltpu.VMEM((CS,), jnp.float32),
        pltpu.SemaphoreType.DMA,
    ]
    if tail:
        scratch += [pltpu.VMEM((tail,), jnp.int32),
                    pltpu.VMEM((tail,), jnp.float32)]

    @functools.partial(
        pl.kernel,
        mesh=mesh,
        out_type=jax.ShapeDtypeStruct((npw * NW,), jnp.float32),
        scratch_types=scratch,
    )
    def _noise_gather(s_hbm, gidx_hbm, out_hbm, idx_v, val_v, sem,
                      *tail_bufs):
        wid = lax.axis_index("s") * NC + lax.axis_index("c")
        base0 = wid * npw

        def chunk(ci, carry):
            base = base0 + ci * CS
            pltpu.sync_copy(gidx_hbm.at[pl.ds(base, CS)], idx_v)
            pltpu.async_copy(s_hbm.at[idx_v], val_v, sem).wait()
            pltpu.sync_copy(val_v, out_hbm.at[pl.ds(base, CS)])
            return carry

        if fc:
            lax.fori_loop(0, fc, chunk, 0)
        if tail:
            ti, tv = tail_bufs
            base = base0 + fc * CS
            pltpu.sync_copy(gidx_hbm.at[pl.ds(base, tail)], ti)
            pltpu.async_copy(s_hbm.at[ti], tv, sem).wait()
            pltpu.sync_copy(tv, out_hbm.at[pl.ds(base, tail)])

    return _noise_gather



@functools.lru_cache(maxsize=None)
def _row_gather_kernel():
    mesh = plsc.VectorSubcoreMesh(core_axis_name="c", subcore_axis_name="s")

    @functools.partial(
        pl.kernel,
        mesh=mesh,
        out_type=jax.ShapeDtypeStruct((BATCH, D_EMB), jnp.float32),
        scratch_types=[
            pltpu.VMEM((ROWS_W,), jnp.int32),
            pltpu.VMEM((ROWS_W, D_EMB), jnp.float32),
            pltpu.SemaphoreType.DMA,
        ],
    )
    def _row_gather(mb_hbm, idx_hbm, out_hbm, idx_v, rows_v, sem):
        wid = lax.axis_index("s") * NC + lax.axis_index("c")
        base = wid * ROWS_W
        pltpu.sync_copy(idx_hbm.at[pl.ds(base, ROWS_W)], idx_v)
        pltpu.async_copy(mb_hbm.at[idx_v], rows_v, sem).wait()
        pltpu.sync_copy(rows_v, out_hbm.at[pl.ds(base, ROWS_W)])

    return _row_gather



def _noise_term(x):
    return LOG_C0 - jnp.log(jnp.exp(x / TAU) / Z + C0E)


@functools.lru_cache(maxsize=None)
def _partial_kernel(size, padded):
    def body(g_ref, out_ref):
        s = jnp.sum(_noise_term(g_ref[...]))
        if padded > size:
            seg = g_ref[pl.ds(0, 128)]
            lane = lax.broadcasted_iota(jnp.int32, (128,), 0)
            v0 = jnp.sum(jnp.where(lane == 0, seg, 0.0))
            s = s - jnp.float32(padded - size) * _noise_term(v0)
        out_ref[...] = jnp.full((1, 128), s, jnp.float32)

    def call(g_out):
        return pl.pallas_call(
            body,
            out_shape=jax.ShapeDtypeStruct((1, 128), jnp.float32),
        )(g_out)

    return call



def _final_body(emb_ref, md_ref, *refs):
    p_refs = refs[:_G]
    entries_ref, sums_ref = refs[_G], refs[_G + 1]
    e = emb_ref[...]
    md = md_ref[...]
    data_ip = jnp.sum(e * md, axis=1)
    dp = jnp.exp(data_ip / TAU) / Z
    sum_ld = jnp.sum(jnp.log(dp) - jnp.log(dp + C0E))
    sum_ln = jnp.float32(0.0)
    lane = lax.broadcasted_iota(jnp.int32, (1, 128), 1)
    for p_ref in p_refs:
        sum_ln = sum_ln + jnp.sum(jnp.where(lane == 0, p_ref[...], 0.0))
    upd = GAMMA * md + (1.0 - GAMMA) * e
    entries_ref[...] = upd / jnp.sqrt(jnp.sum(upd * upd, axis=1,
                                              keepdims=True))
    row = lax.broadcasted_iota(jnp.int32, (8, 128), 0)
    sums_ref[...] = jnp.where(row == 0, sum_ld, sum_ln)


def _final_kernel(emb, mem_data, partials):
    return pl.pallas_call(
        _final_body,
        out_shape=(jax.ShapeDtypeStruct((BATCH, D_EMB), jnp.float32),
                   jax.ShapeDtypeStruct((8, 128), jnp.float32)),
    )(emb, mem_data, *partials)


def kernel(outputs, indices, memory_bank, W, b):
    emb, embh = _emb_kernel(outputs, W, b.reshape(1, D_EMB))
    mem_data = _row_gather_kernel()(memory_bank, indices)
    partials = []
    for g, (loc, size, padded) in enumerate(_GROUPS):
        s_g = _score_kernel(memory_bank, embh, g)
        out_g = _noise_gather_kernel(padded // NW)(s_g, jnp.asarray(loc))
        partials.append(_partial_kernel(size, padded)(out_g))
    entries, sums = _final_kernel(emb, mem_data, partials)
    sum_ld = sums[0, 0]
    sum_ln = sums[1, 0]
    loss = jnp.reshape(-(sum_ld + sum_ln) / BATCH, (1,))
    data_loss = jnp.reshape(-sum_ld / BATCH, (1,))
    noise_loss = jnp.reshape(-sum_ln / BATCH, (1,))
    return (loss, entries, data_loss, noise_loss)

# --- scband reference (transcript-rebuilt; emitter-appended) ---
"""Pipeline reference for scband-instance-discrimination-loss-78383153152032 (READ-ONLY COPY).

The authoritative reference and input builder live on the scoring server;
editing this copy changes nothing except your own understanding.
"""

import jax, jax.numpy as jnp
import numpy as np

N_TOTAL = 100000
D_MODEL = 2048
D_EMB = 128
BATCH = 1024
M_NOISE = 4096
GAMMA = 0.5
TAU = 0.07


def l2_normalize(x):
    return x / jnp.sqrt(jnp.sum(x ** 2, axis=1, keepdims=True))


def _softmax_probs(inner_products):
    Z = 2876934.2 / 1281167 * N_TOTAL
    return jnp.exp(inner_products / TAU) / Z


def setup_inputs(seed: int = 0):
    key = jax.random.key(seed)
    k1, k2, k3, k4 = jax.random.split(key, 4)
    outputs = jax.random.normal(k1, (BATCH, D_MODEL), dtype=jnp.float32)
    indices = jax.random.randint(k2, (BATCH,), 0, N_TOTAL, dtype=jnp.int32)
    memory_bank = l2_normalize(jax.random.normal(k3, (N_TOTAL, D_EMB), dtype=jnp.float32))
    kw, kb = jax.random.split(k4)
    bound = 1.0 / np.sqrt(D_MODEL)
    W = jax.random.uniform(kw, (D_EMB, D_MODEL), minval=-bound, maxval=bound, dtype=jnp.float32)
    b = jax.random.uniform(kb, (D_EMB,), minval=-bound, maxval=bound, dtype=jnp.float32)
    return {"outputs": outputs, "indices": indices, "memory_bank": memory_bank, "W": W, "b": b}


def reference(outputs, indices, memory_bank, W, b):
    batch_size = outputs.shape[0]
    emb = outputs @ W.T + b
    emb = l2_normalize(emb)
    # data inner products (memory lookups are no-grad in the original)
    mem_data = jax.lax.stop_gradient(jnp.take(memory_bank, indices, axis=0))
    data_ip = jnp.sum(emb * mem_data, axis=-1)
    data_probs = _softmax_probs(data_ip)
    # noise inner products with m random memory-bank entries per sample
    random_idxs = jax.random.randint(jax.random.key(12345), (batch_size, M_NOISE), 0, N_TOTAL, dtype=jnp.int32)
    mem_noise = jax.lax.stop_gradient(
        jnp.take(memory_bank, random_idxs.reshape(-1), axis=0).reshape(batch_size, M_NOISE, D_EMB))
    noise_ip = jnp.sum(emb[:, None, :] * mem_noise, axis=-1)
    noise_probs = _softmax_probs(noise_ip)
    noise_unif = 1.0 / N_TOTAL
    eps = 1e-07
    log_data_prob = jnp.log(data_probs) - jnp.log(data_probs + M_NOISE * noise_unif + eps)
    log_noise_prob = np.log(M_NOISE * noise_unif) - jnp.log(noise_probs + M_NOISE * noise_unif + eps)
    loss = -(jnp.sum(log_data_prob) + jnp.sum(log_noise_prob)) / batch_size
    entries_to_update = l2_normalize(GAMMA * mem_data + (1.0 - GAMMA) * emb)
    data_loss = -jnp.sum(log_data_prob) / batch_size
    noise_loss = -jnp.sum(log_noise_prob) / batch_size
    return (loss[None], entries_to_update, data_loss[None], noise_loss[None])

if __name__ == "__main__":
    import jax
    _d = setup_inputs()
    print(jax.jit(kernel)(*tuple(_d.values())))

</pallas_src>

<mosaic_0001>
#map = affine_map<(d0, d1) -> (0)>
module attributes {stable_mosaic.version = 14 : i64} {
  func.func @_noise_gather(%arg0: i32, %arg1: i32, %arg2: memref<25600000xf32, #tpu.memory_space<hbm>>, %arg3: memref<1048576xi32, #tpu.memory_space<hbm>>, %arg4: memref<1048576xf32, #tpu.memory_space<hbm>>, %arg5: memref<32768xi32, #tpu.memory_space<vmem>>, %arg6: memref<32768xf32, #tpu.memory_space<vmem>>, %arg7: memref<!tpu.dma_semaphore, #tpu.memory_space<semaphore_mem>>) attributes {dimension_semantics = [#tpu.dimension_semantics<core_parallel>, #tpu.dimension_semantics<subcore_parallel>], iteration_bounds = array<i64: 2, 16>, scalar_prefetch = 0 : i64, scratch_operands = 3 : i64, tpu.core_type = #tpu.core_type<sc_vector_subcore>, window_params = [{transform_indices = #map}, {transform_indices = #map}, {transform_indices = #map}]} {
    %mul3A = arith.constant 2 : i32
    %mul3A_0 = arith.muli %arg1, %mul3A : i32
    %add3A = arith.addi %mul3A_0, %arg0 : i32
    %mul3A_1 = arith.constant 32768 : i32
    %mul3A_2 = arith.muli %add3A, %mul3A_1 : i32
    %scan3A = arith.constant 0 : i32
    %scan3A_3 = arith.constant 0 : i32
    %mul3A_4 = arith.constant 32768 : i32
    %mul3A_5 = arith.muli %scan3A_3, %mul3A_4 : i32
    %add3A_6 = arith.addi %mul3A_2, %mul3A_5 : i32
    "tpu.region"() ({
      %run_scoped3A = tpu.sem_alloc : memref<!tpu.dma_semaphore, #tpu.memory_space<semaphore_mem>>
      %dma_start3A_10 = tpu.memref_slice %arg3[%add3A_6] : memref<1048576xi32, #tpu.memory_space<hbm>> -> memref<32768xi32, #tpu.memory_space<hbm>>
      %dma_start3A_11 = tpu.memref_slice %arg3[%add3A_6] : memref<1048576xi32, #tpu.memory_space<hbm>> -> memref<32768xi32, #tpu.memory_space<hbm>>
      tpu.enqueue_dma source(%dma_start3A_11 : memref<32768xi32, #tpu.memory_space<hbm>>) target(%arg5 : memref<32768xi32, #tpu.memory_space<vmem>>) target_semaphore(%run_scoped3A : memref<!tpu.dma_semaphore, #tpu.memory_space<semaphore_mem>>)
      %dma_wait3A_12 = tpu.memref_slice %arg3[%add3A_6] : memref<1048576xi32, #tpu.memory_space<hbm>> -> memref<32768xi32, #tpu.memory_space<hbm>>
      %dma_wait3A_13 = tpu.memref_slice %arg3[%add3A_6] : memref<1048576xi32, #tpu.memory_space<hbm>> -> memref<32768xi32, #tpu.memory_space<hbm>>
      tpu.wait_dma2 semaphore(%run_scoped3A : memref<!tpu.dma_semaphore, #tpu.memory_space<semaphore_mem>>) src(%dma_wait3A_13 : memref<32768xi32, #tpu.memory_space<hbm>>) dst(%arg5 : memref<32768xi32, #tpu.memory_space<vmem>>)
      tpu.yield
    }) : () -> ()
    %dma_start3A = arith.constant 0 : i32
    %dma_start3A_7 = tpu.memref_slice %arg2[%dma_start3A] : memref<25600000xf32, #tpu.memory_space<hbm>> -> memref<25600000xf32, #tpu.memory_space<hbm>>
    tpu.enqueue_indirect_dma source(%dma_start3A_7 : memref<25600000xf32, #tpu.memory_space<hbm>>) target(%arg6 : memref<32768xf32, #tpu.memory_space<vmem>>) offsets(%arg5 : memref<32768xi32, #tpu.memory_space<vmem>>) semaphore(%arg7 : memref<!tpu.dma_semaphore, #tpu.memory_space<semaphore_mem>>)
    %dma_wait3A = arith.constant 0 : i32
    %dma_wait3A_8 = tpu.memref_slice %arg2[%dma_wait3A] : memref<25600000xf32, #tpu.memory_space<hbm>> -> memref<25600000xf32, #tpu.memory_space<hbm>>
    tpu.wait_indirect_dma semaphore(%arg7 : memref<!tpu.dma_semaphore, #tpu.memory_space<semaphore_mem>>) src(%dma_wait3A_8 : memref<25600000xf32, #tpu.memory_space<hbm>>) dst(%arg6 : memref<32768xf32, #tpu.memory_space<vmem>>)
    "tpu.region"() ({
      %run_scoped3A = tpu.sem_alloc : memref<!tpu.dma_semaphore, #tpu.memory_space<semaphore_mem>>
      %dma_start3A_10 = tpu.memref_slice %arg4[%add3A_6] : memref<1048576xf32, #tpu.memory_space<hbm>> -> memref<32768xf32, #tpu.memory_space<hbm>>
      %dma_start3A_11 = tpu.memref_slice %arg4[%add3A_6] : memref<1048576xf32, #tpu.memory_space<hbm>> -> memref<32768xf32, #tpu.memory_space<hbm>>
      tpu.enqueue_dma source(%arg6 : memref<32768xf32, #tpu.memory_space<vmem>>) target(%dma_start3A_11 : memref<32768xf32, #tpu.memory_space<hbm>>) target_semaphore(%run_scoped3A : memref<!tpu.dma_semaphore, #tpu.memory_space<semaphore_mem>>)
      %dma_wait3A_12 = tpu.memref_slice %arg4[%add3A_6] : memref<1048576xf32, #tpu.memory_space<hbm>> -> memref<32768xf32, #tpu.memory_space<hbm>>
      %dma_wait3A_13 = tpu.memref_slice %arg4[%add3A_6] : memref<1048576xf32, #tpu.memory_space<hbm>> -> memref<32768xf32, #tpu.memory_space<hbm>>
      tpu.wait_dma2 semaphore(%run_scoped3A : memref<!tpu.dma_semaphore, #tpu.memory_space<semaphore_mem>>) src(%arg6 : memref<32768xf32, #tpu.memory_space<vmem>>) dst(%dma_wait3A_13 : memref<32768xf32, #tpu.memory_space<hbm>>)
      tpu.yield
    }) : () -> ()
    %scan3A_9 = arith.constant 1 : i32
    return
  }
}

#map = affine_map<(d0, d1) -> (0)>
module attributes {stable_mosaic.version = 14 : i64} {
  func.func @_noise_gather(%arg0: i32, %arg1: i32, %arg2: memref<25600000xf32, #tpu.memory_space<hbm>>, %arg3: memref<1049600xi32, #tpu.memory_space<hbm>>, %arg4: memref<1049600xf32, #tpu.memory_space<hbm>>, %arg5: memref<32768xi32, #tpu.memory_space<vmem>>, %arg6: memref<32768xf32, #tpu.memory_space<vmem>>, %arg7: memref<!tpu.dma_semaphore, #tpu.memory_space<semaphore_mem>>, %arg8: memref<32xi32, #tpu.memory_space<vmem>>, %arg9: memref<32xf32, #tpu.memory_space<vmem>>) attributes {dimension_semantics = [#tpu.dimension_semantics<core_parallel>, #tpu.dimension_semantics<subcore_parallel>], iteration_bounds = array<i64: 2, 16>, scalar_prefetch = 0 : i64, scratch_operands = 5 : i64, tpu.core_type = #tpu.core_type<sc_vector_subcore>, window_params = [{transform_indices = #map}, {transform_indices = #map}, {transform_indices = #map}]} {
    %mul3A = arith.constant 2 : i32
    %mul3A_0 = arith.muli %arg1, %mul3A : i32
    %add3A = arith.addi %mul3A_0, %arg0 : i32
    %mul3A_1 = arith.constant 32800 : i32
    %mul3A_2 = arith.muli %add3A, %mul3A_1 : i32
    %scan3A = arith.constant 0 : i32
    %scan3A_3 = arith.constant 0 : i32
    %mul3A_4 = arith.constant 32768 : i32
    %mul3A_5 = arith.muli %scan3A_3, %mul3A_4 : i32
    %add3A_6 = arith.addi %mul3A_2, %mul3A_5 : i32
    "tpu.region"() ({
      %run_scoped3A = tpu.sem_alloc : memref<!tpu.dma_semaphore, #tpu.memory_space<semaphore_mem>>
      %dma_start3A_16 = tpu.memref_slice %arg3[%add3A_6] : memref<1049600xi32, #tpu.memory_space<hbm>> -> memref<32768xi32, #tpu.memory_space<hbm>>
      %dma_start3A_17 = tpu.memref_slice %arg3[%add3A_6] : memref<1049600xi32, #tpu.memory_space<hbm>> -> memref<32768xi32, #tpu.memory_space<hbm>>
      tpu.enqueue_dma source(%dma_start3A_17 : memref<32768xi32, #tpu.memory_space<hbm>>) target(%arg5 : memref<32768xi32, #tpu.memory_space<vmem>>) target_semaphore(%run_scoped3A : memref<!tpu.dma_semaphore, #tpu.memory_space<semaphore_mem>>)
      %dma_wait3A_18 = tpu.memref_slice %arg3[%add3A_6] : memref<1049600xi32, #tpu.memory_space<hbm>> -> memref<32768xi32, #tpu.memory_space<hbm>>
      %dma_wait3A_19 = tpu.memref_slice %arg3[%add3A_6] : memref<1049600xi32, #tpu.memory_space<hbm>> -> memref<32768xi32, #tpu.memory_space<hbm>>
      tpu.wait_dma2 semaphore(%run_scoped3A : memref<!tpu.dma_semaphore, #tpu.memory_space<semaphore_mem>>) src(%dma_wait3A_19 : memref<32768xi32, #tpu.memory_space<hbm>>) dst(%arg5 : memref<32768xi32, #tpu.memory_space<vmem>>)
      tpu.yield
    }) : () -> ()
    %dma_start3A = arith.constant 0 : i32
    %dma_start3A_7 = tpu.memref_slice %arg2[%dma_start3A] : memref<25600000xf32, #tpu.memory_space<hbm>> -> memref<25600000xf32, #tpu.memory_space<hbm>>
    tpu.enqueue_indirect_dma source(%dma_start3A_7 : memref<25600000xf32, #tpu.memory_space<hbm>>) target(%arg6 : memref<32768xf32, #tpu.memory_space<vmem>>) offsets(%arg5 : memref<32768xi32, #tpu.memory_space<vmem>>) semaphore(%arg7 : memref<!tpu.dma_semaphore, #tpu.memory_space<semaphore_mem>>)
    %dma_wait3A = arith.constant 0 : i32
    %dma_wait3A_8 = tpu.memref_slice %arg2[%dma_wait3A] : memref<25600000xf32, #tpu.memory_space<hbm>> -> memref<25600000xf32, #tpu.memory_space<hbm>>
    tpu.wait_indirect_dma semaphore(%arg7 : memref<!tpu.dma_semaphore, #tpu.memory_space<semaphore_mem>>) src(%dma_wait3A_8 : memref<25600000xf32, #tpu.memory_space<hbm>>) dst(%arg6 : memref<32768xf32, #tpu.memory_space<vmem>>)
    "tpu.region"() ({
      %run_scoped3A = tpu.sem_alloc : memref<!tpu.dma_semaphore, #tpu.memory_space<semaphore_mem>>
      %dma_start3A_16 = tpu.memref_slice %arg4[%add3A_6] : memref<1049600xf32, #tpu.memory_space<hbm>> -> memref<32768xf32, #tpu.memory_space<hbm>>
      %dma_start3A_17 = tpu.memref_slice %arg4[%add3A_6] : memref<1049600xf32, #tpu.memory_space<hbm>> -> memref<32768xf32, #tpu.memory_space<hbm>>
      tpu.enqueue_dma source(%arg6 : memref<32768xf32, #tpu.memory_space<vmem>>) target(%dma_start3A_17 : memref<32768xf32, #tpu.memory_space<hbm>>) target_semaphore(%run_scoped3A : memref<!tpu.dma_semaphore, #tpu.memory_space<semaphore_mem>>)
      %dma_wait3A_18 = tpu.memref_slice %arg4[%add3A_6] : memref<1049600xf32, #tpu.memory_space<hbm>> -> memref<32768xf32, #tpu.memory_space<hbm>>
      %dma_wait3A_19 = tpu.memref_slice %arg4[%add3A_6] : memref<1049600xf32, #tpu.memory_space<hbm>> -> memref<32768xf32, #tpu.memory_space<hbm>>
      tpu.wait_dma2 semaphore(%run_scoped3A : memref<!tpu.dma_semaphore, #tpu.memory_space<semaphore_mem>>) src(%arg6 : memref<32768xf32, #tpu.memory_space<vmem>>) dst(%dma_wait3A_19 : memref<32768xf32, #tpu.memory_space<hbm>>)
      tpu.yield
    }) : () -> ()
    %scan3A_9 = arith.constant 1 : i32
    %add3A_10 = arith.constant 32768 : i32
    %add3A_11 = arith.addi %mul3A_2, %add3A_10 : i32
    "tpu.region"() ({
      %run_scoped3A = tpu.sem_alloc : memref<!tpu.dma_semaphore, #tpu.memory_space<semaphore_mem>>
      %dma_start3A_16 = tpu.memref_slice %arg3[%add3A_11] : memref<1049600xi32, #tpu.memory_space<hbm>> -> memref<32xi32, #tpu.memory_space<hbm>>
      %dma_start3A_17 = tpu.memref_slice %arg3[%add3A_11] : memref<1049600xi32, #tpu.memory_space<hbm>> -> memref<32xi32, #tpu.memory_space<hbm>>
      tpu.enqueue_dma source(%dma_start3A_17 : memref<32xi32, #tpu.memory_space<hbm>>) target(%arg8 : memref<32xi32, #tpu.memory_space<vmem>>) target_semaphore(%run_scoped3A : memref<!tpu.dma_semaphore, #tpu.memory_space<semaphore_mem>>)
      %dma_wait3A_18 = tpu.memref_slice %arg3[%add3A_11] : memref<1049600xi32, #tpu.memory_space<hbm>> -> memref<32xi32, #tpu.memory_space<hbm>>
      %dma_wait3A_19 = tpu.memref_slice %arg3[%add3A_11] : memref<1049600xi32, #tpu.memory_space<hbm>> -> memref<32xi32, #tpu.memory_space<hbm>>
      tpu.wait_dma2 semaphore(%run_scoped3A : memref<!tpu.dma_semaphore, #tpu.memory_space<semaphore_mem>>) src(%dma_wait3A_19 : memref<32xi32, #tpu.memory_space<hbm>>) dst(%arg8 : memref<32xi32, #tpu.memory_space<vmem>>)
      tpu.yield
    }) : () -> ()
    %dma_start3A_12 = arith.constant 0 : i32
    %dma_start3A_13 = tpu.memref_slice %arg2[%dma_start3A_12] : memref<25600000xf32, #tpu.memory_space<hbm>> -> memref<25600000xf32, #tpu.memory_space<hbm>>
    tpu.enqueue_indirect_dma source(%dma_start3A_13 : memref<25600000xf32, #tpu.memory_space<hbm>>) target(%arg9 : memref<32xf32, #tpu.memory_space<vmem>>) offsets(%arg8 : memref<32xi32, #tpu.memory_space<vmem>>) semaphore(%arg7 : memref<!tpu.dma_semaphore, #tpu.memory_space<semaphore_mem>>)
    %dma_wait3A_14 = arith.constant 0 : i32
    %dma_wait3A_15 = tpu.memref_slice %arg2[%dma_wait3A_14] : memref<25600000xf32, #tpu.memory_space<hbm>> -> memref<25600000xf32, #tpu.memory_space<hbm>>
    tpu.wait_indirect_dma semaphore(%arg7 : memref<!tpu.dma_semaphore, #tpu.memory_space<semaphore_mem>>) src(%dma_wait3A_15 : memref<25600000xf32, #tpu.memory_space<hbm>>) dst(%arg9 : memref<32xf32, #tpu.memory_space<vmem>>)
    "tpu.region"() ({
      %run_scoped3A = tpu.sem_alloc : memref<!tpu.dma_semaphore, #tpu.memory_space<semaphore_mem>>
      %dma_start3A_16 = tpu.memref_slice %arg4[%add3A_11] : memref<1049600xf32, #tpu.memory_space<hbm>> -> memref<32xf32, #tpu.memory_space<hbm>>
      %dma_start3A_17 = tpu.memref_slice %arg4[%add3A_11] : memref<1049600xf32, #tpu.memory_space<hbm>> -> memref<32xf32, #tpu.memory_space<hbm>>
      tpu.enqueue_dma source(%arg9 : memref<32xf32, #tpu.memory_space<vmem>>) target(%dma_start3A_17 : memref<32xf32, #tpu.memory_space<hbm>>) target_semaphore(%run_scoped3A : memref<!tpu.dma_semaphore, #tpu.memory_space<semaphore_mem>>)
      %dma_wait3A_18 = tpu.memref_slice %arg4[%add3A_11] : memref<1049600xf32, #tpu.memory_space<hbm>> -> memref<32xf32, #tpu.memory_space<hbm>>
      %dma_wait3A_19 = tpu.memref_slice %arg4[%add3A_11] : memref<1049600xf32, #tpu.memory_space<hbm>> -> memref<32xf32, #tpu.memory_space<hbm>>
      tpu.wait_dma2 semaphore(%run_scoped3A : memref<!tpu.dma_semaphore, #tpu.memory_space<semaphore_mem>>) src(%arg9 : memref<32xf32, #tpu.memory_space<vmem>>) dst(%dma_wait3A_19 : memref<32xf32, #tpu.memory_space<hbm>>)
      tpu.yield
    }) : () -> ()
    return
  }
}

#map = affine_map<(d0, d1) -> (0)>
module attributes {stable_mosaic.version = 14 : i64} {
  func.func @_noise_gather(%arg0: i32, %arg1: i32, %arg2: memref<25600000xf32, #tpu.memory_space<hbm>>, %arg3: memref<1049600xi32, #tpu.memory_space<hbm>>, %arg4: memref<1049600xf32, #tpu.memory_space<hbm>>, %arg5: memref<32768xi32, #tpu.memory_space<vmem>>, %arg6: memref<32768xf32, #tpu.memory_space<vmem>>, %arg7: memref<!tpu.dma_semaphore, #tpu.memory_space<semaphore_mem>>, %arg8: memref<32xi32, #tpu.memory_space<vmem>>, %arg9: memref<32xf32, #tpu.memory_space<vmem>>) attributes {dimension_semantics = [#tpu.dimension_semantics<core_parallel>, #tpu.dimension_semantics<subcore_parallel>], iteration_bounds = array<i64: 2, 16>, scalar_prefetch = 0 : i64, scratch_operands = 5 : i64, tpu.core_type = #tpu.core_type<sc_vector_subcore>, window_params = [{transform_indices = #map}, {transform_indices = #map}, {transform_indices = #map}]} {
    %mul3A = arith.constant 2 : i32
    %mul3A_0 = arith.muli %arg1, %mul3A : i32
    %add3A = arith.addi %mul3A_0, %arg0 : i32
    %mul3A_1 = arith.constant 32800 : i32
    %mul3A_2 = arith.muli %add3A, %mul3A_1 : i32
    %scan3A = arith.constant 0 : i32
    %scan3A_3 = arith.constant 0 : i32
    %mul3A_4 = arith.constant 32768 : i32
    %mul3A_5 = arith.muli %scan3A_3, %mul3A_4 : i32
    %add3A_6 = arith.addi %mul3A_2, %mul3A_5 : i32
    "tpu.region"() ({
      %run_scoped3A = tpu.sem_alloc : memref<!tpu.dma_semaphore, #tpu.memory_space<semaphore_mem>>
      %dma_start3A_16 = tpu.memref_slice %arg3[%add3A_6] : memref<1049600xi32, #tpu.memory_space<hbm>> -> memref<32768xi32, #tpu.memory_space<hbm>>
      %dma_start3A_17 = tpu.memref_slice %arg3[%add3A_6] : memref<1049600xi32, #tpu.memory_space<hbm>> -> memref<32768xi32, #tpu.memory_space<hbm>>
      tpu.enqueue_dma source(%dma_start3A_17 : memref<32768xi32, #tpu.memory_space<hbm>>) target(%arg5 : memref<32768xi32, #tpu.memory_space<vmem>>) target_semaphore(%run_scoped3A : memref<!tpu.dma_semaphore, #tpu.memory_space<semaphore_mem>>)
      %dma_wait3A_18 = tpu.memref_slice %arg3[%add3A_6] : memref<1049600xi32, #tpu.memory_space<hbm>> -> memref<32768xi32, #tpu.memory_space<hbm>>
      %dma_wait3A_19 = tpu.memref_slice %arg3[%add3A_6] : memref<1049600xi32, #tpu.memory_space<hbm>> -> memref<32768xi32, #tpu.memory_space<hbm>>
      tpu.wait_dma2 semaphore(%run_scoped3A : memref<!tpu.dma_semaphore, #tpu.memory_space<semaphore_mem>>) src(%dma_wait3A_19 : memref<32768xi32, #tpu.memory_space<hbm>>) dst(%arg5 : memref<32768xi32, #tpu.memory_space<vmem>>)
      tpu.yield
    }) : () -> ()
    %dma_start3A = arith.constant 0 : i32
    %dma_start3A_7 = tpu.memref_slice %arg2[%dma_start3A] : memref<25600000xf32, #tpu.memory_space<hbm>> -> memref<25600000xf32, #tpu.memory_space<hbm>>
    tpu.enqueue_indirect_dma source(%dma_start3A_7 : memref<25600000xf32, #tpu.memory_space<hbm>>) target(%arg6 : memref<32768xf32, #tpu.memory_space<vmem>>) offsets(%arg5 : memref<32768xi32, #tpu.memory_space<vmem>>) semaphore(%arg7 : memref<!tpu.dma_semaphore, #tpu.memory_space<semaphore_mem>>)
    %dma_wait3A = arith.constant 0 : i32
    %dma_wait3A_8 = tpu.memref_slice %arg2[%dma_wait3A] : memref<25600000xf32, #tpu.memory_space<hbm>> -> memref<25600000xf32, #tpu.memory_space<hbm>>
    tpu.wait_indirect_dma semaphore(%arg7 : memref<!tpu.dma_semaphore, #tpu.memory_space<semaphore_mem>>) src(%dma_wait3A_8 : memref<25600000xf32, #tpu.memory_space<hbm>>) dst(%arg6 : memref<32768xf32, #tpu.memory_space<vmem>>)
    "tpu.region"() ({
      %run_scoped3A = tpu.sem_alloc : memref<!tpu.dma_semaphore, #tpu.memory_space<semaphore_mem>>
      %dma_start3A_16 = tpu.memref_slice %arg4[%add3A_6] : memref<1049600xf32, #tpu.memory_space<hbm>> -> memref<32768xf32, #tpu.memory_space<hbm>>
      %dma_start3A_17 = tpu.memref_slice %arg4[%add3A_6] : memref<1049600xf32, #tpu.memory_space<hbm>> -> memref<32768xf32, #tpu.memory_space<hbm>>
      tpu.enqueue_dma source(%arg6 : memref<32768xf32, #tpu.memory_space<vmem>>) target(%dma_start3A_17 : memref<32768xf32, #tpu.memory_space<hbm>>) target_semaphore(%run_scoped3A : memref<!tpu.dma_semaphore, #tpu.memory_space<semaphore_mem>>)
      %dma_wait3A_18 = tpu.memref_slice %arg4[%add3A_6] : memref<1049600xf32, #tpu.memory_space<hbm>> -> memref<32768xf32, #tpu.memory_space<hbm>>
      %dma_wait3A_19 = tpu.memref_slice %arg4[%add3A_6] : memref<1049600xf32, #tpu.memory_space<hbm>> -> memref<32768xf32, #tpu.memory_space<hbm>>
      tpu.wait_dma2 semaphore(%run_scoped3A : memref<!tpu.dma_semaphore, #tpu.memory_space<semaphore_mem>>) src(%arg6 : memref<32768xf32, #tpu.memory_space<vmem>>) dst(%dma_wait3A_19 : memref<32768xf32, #tpu.memory_space<hbm>>)
      tpu.yield
    }) : () -> ()
    %scan3A_9 = arith.constant 1 : i32
    %add3A_10 = arith.constant 32768 : i32
    %add3A_11 = arith.addi %mul3A_2, %add3A_10 : i32
    "tpu.region"() ({
      %run_scoped3A = tpu.sem_alloc : memref<!tpu.dma_semaphore, #tpu.memory_space<semaphore_mem>>
      %dma_start3A_16 = tpu.memref_slice %arg3[%add3A_11] : memref<1049600xi32, #tpu.memory_space<hbm>> -> memref<32xi32, #tpu.memory_space<hbm>>
      %dma_start3A_17 = tpu.memref_slice %arg3[%add3A_11] : memref<1049600xi32, #tpu.memory_space<hbm>> -> memref<32xi32, #tpu.memory_space<hbm>>
      tpu.enqueue_dma source(%dma_start3A_17 : memref<32xi32, #tpu.memory_space<hbm>>) target(%arg8 : memref<32xi32, #tpu.memory_space<vmem>>) target_semaphore(%run_scoped3A : memref<!tpu.dma_semaphore, #tpu.memory_space<semaphore_mem>>)
      %dma_wait3A_18 = tpu.memref_slice %arg3[%add3A_11] : memref<1049600xi32, #tpu.memory_space<hbm>> -> memref<32xi32, #tpu.memory_space<hbm>>
      %dma_wait3A_19 = tpu.memref_slice %arg3[%add3A_11] : memref<1049600xi32, #tpu.memory_space<hbm>> -> memref<32xi32, #tpu.memory_space<hbm>>
      tpu.wait_dma2 semaphore(%run_scoped3A : memref<!tpu.dma_semaphore, #tpu.memory_space<semaphore_mem>>) src(%dma_wait3A_19 : memref<32xi32, #tpu.memory_space<hbm>>) dst(%arg8 : memref<32xi32, #tpu.memory_space<vmem>>)
      tpu.yield
    }) : () -> ()
    %dma_start3A_12 = arith.constant 0 : i32
    %dma_start3A_13 = tpu.memref_slice %arg2[%dma_start3A_12] : memref<25600000xf32, #tpu.memory_space<hbm>> -> memref<25600000xf32, #tpu.memory_space<hbm>>
    tpu.enqueue_indirect_dma source(%dma_start3A_13 : memref<25600000xf32, #tpu.memory_space<hbm>>) target(%arg9 : memref<32xf32, #tpu.memory_space<vmem>>) offsets(%arg8 : memref<32xi32, #tpu.memory_space<vmem>>) semaphore(%arg7 : memref<!tpu.dma_semaphore, #tpu.memory_space<semaphore_mem>>)
    %dma_wait3A_14 = arith.constant 0 : i32
    %dma_wait3A_15 = tpu.memref_slice %arg2[%dma_wait3A_14] : memref<25600000xf32, #tpu.memory_space<hbm>> -> memref<25600000xf32, #tpu.memory_space<hbm>>
    tpu.wait_indirect_dma semaphore(%arg7 : memref<!tpu.dma_semaphore, #tpu.memory_space<semaphore_mem>>) src(%dma_wait3A_15 : memref<25600000xf32, #tpu.memory_space<hbm>>) dst(%arg9 : memref<32xf32, #tpu.memory_space<vmem>>)
    "tpu.region"() ({
      %run_scoped3A = tpu.sem_alloc : memref<!tpu.dma_semaphore, #tpu.memory_space<semaphore_mem>>
      %dma_start3A_16 = tpu.memref_slice %arg4[%add3A_11] : memref<1049600xf32, #tpu.memory_space<hbm>> -> memref<32xf32, #tpu.memory_space<hbm>>
      %dma_start3A_17 = tpu.memref_slice %arg4[%add3A_11] : memref<1049600xf32, #tpu.memory_space<hbm>> -> memref<32xf32, #tpu.memory_space<hbm>>
      tpu.enqueue_dma source(%arg9 : memref<32xf32, #tpu.memory_space<vmem>>) target(%dma_start3A_17 : memref<32xf32, #tpu.memory_space<hbm>>) target_semaphore(%run_scoped3A : memref<!tpu.dma_semaphore, #tpu.memory_space<semaphore_mem>>)
      %dma_wait3A_18 = tpu.memref_slice %arg4[%add3A_11] : memref<1049600xf32, #tpu.memory_space<hbm>> -> memref<32xf32, #tpu.memory_space<hbm>>
      %dma_wait3A_19 = tpu.memref_slice %arg4[%add3A_11] : memref<1049600xf32, #tpu.memory_space<hbm>> -> memref<32xf32, #tpu.memory_space<hbm>>
      tpu.wait_dma2 semaphore(%run_scoped3A : memref<!tpu.dma_semaphore, #tpu.memory_space<semaphore_mem>>) src(%arg9 : memref<32xf32, #tpu.memory_space<vmem>>) dst(%dma_wait3A_19 : memref<32xf32, #tpu.memory_space<hbm>>)
      tpu.yield
    }) : () -> ()
    return
  }
}

#map = affine_map<(d0, d1) -> (0)>
module attributes {stable_mosaic.version = 14 : i64} {
  func.func @_noise_gather(%arg0: i32, %arg1: i32, %arg2: memref<25600000xf32, #tpu.memory_space<hbm>>, %arg3: memref<1048576xi32, #tpu.memory_space<hbm>>, %arg4: memref<1048576xf32, #tpu.memory_space<hbm>>, %arg5: memref<32768xi32, #tpu.memory_space<vmem>>, %arg6: memref<32768xf32, #tpu.memory_space<vmem>>, %arg7: memref<!tpu.dma_semaphore, #tpu.memory_space<semaphore_mem>>) attributes {dimension_semantics = [#tpu.dimension_semantics<core_parallel>, #tpu.dimension_semantics<subcore_parallel>], iteration_bounds = array<i64: 2, 16>, scalar_prefetch = 0 : i64, scratch_operands = 3 : i64, tpu.core_type = #tpu.core_type<sc_vector_subcore>, window_params = [{transform_indices = #map}, {transform_indices = #map}, {transform_indices = #map}]} {
    %mul3A = arith.constant 2 : i32
    %mul3A_0 = arith.muli %arg1, %mul3A : i32
    %add3A = arith.addi %mul3A_0, %arg0 : i32
    %mul3A_1 = arith.constant 32768 : i32
    %mul3A_2 = arith.muli %add3A, %mul3A_1 : i32
    %scan3A = arith.constant 0 : i32
    %scan3A_3 = arith.constant 0 : i32
    %mul3A_4 = arith.constant 32768 : i32
    %mul3A_5 = arith.muli %scan3A_3, %mul3A_4 : i32
    %add3A_6 = arith.addi %mul3A_2, %mul3A_5 : i32
    "tpu.region"() ({
      %run_scoped3A = tpu.sem_alloc : memref<!tpu.dma_semaphore, #tpu.memory_space<semaphore_mem>>
      %dma_start3A_10 = tpu.memref_slice %arg3[%add3A_6] : memref<1048576xi32, #tpu.memory_space<hbm>> -> memref<32768xi32, #tpu.memory_space<hbm>>
      %dma_start3A_11 = tpu.memref_slice %arg3[%add3A_6] : memref<1048576xi32, #tpu.memory_space<hbm>> -> memref<32768xi32, #tpu.memory_space<hbm>>
      tpu.enqueue_dma source(%dma_start3A_11 : memref<32768xi32, #tpu.memory_space<hbm>>) target(%arg5 : memref<32768xi32, #tpu.memory_space<vmem>>) target_semaphore(%run_scoped3A : memref<!tpu.dma_semaphore, #tpu.memory_space<semaphore_mem>>)
      %dma_wait3A_12 = tpu.memref_slice %arg3[%add3A_6] : memref<1048576xi32, #tpu.memory_space<hbm>> -> memref<32768xi32, #tpu.memory_space<hbm>>
      %dma_wait3A_13 = tpu.memref_slice %arg3[%add3A_6] : memref<1048576xi32, #tpu.memory_space<hbm>> -> memref<32768xi32, #tpu.memory_space<hbm>>
      tpu.wait_dma2 semaphore(%run_scoped3A : memref<!tpu.dma_semaphore, #tpu.memory_space<semaphore_mem>>) src(%dma_wait3A_13 : memref<32768xi32, #tpu.memory_space<hbm>>) dst(%arg5 : memref<32768xi32, #tpu.memory_space<vmem>>)
      tpu.yield
    }) : () -> ()
    %dma_start3A = arith.constant 0 : i32
    %dma_start3A_7 = tpu.memref_slice %arg2[%dma_start3A] : memref<25600000xf32, #tpu.memory_space<hbm>> -> memref<25600000xf32, #tpu.memory_space<hbm>>
    tpu.enqueue_indirect_dma source(%dma_start3A_7 : memref<25600000xf32, #tpu.memory_space<hbm>>) target(%arg6 : memref<32768xf32, #tpu.memory_space<vmem>>) offsets(%arg5 : memref<32768xi32, #tpu.memory_space<vmem>>) semaphore(%arg7 : memref<!tpu.dma_semaphore, #tpu.memory_space<semaphore_mem>>)
    %dma_wait3A = arith.constant 0 : i32
    %dma_wait3A_8 = tpu.memref_slice %arg2[%dma_wait3A] : memref<25600000xf32, #tpu.memory_space<hbm>> -> memref<25600000xf32, #tpu.memory_space<hbm>>
    tpu.wait_indirect_dma semaphore(%arg7 : memref<!tpu.dma_semaphore, #tpu.memory_space<semaphore_mem>>) src(%dma_wait3A_8 : memref<25600000xf32, #tpu.memory_space<hbm>>) dst(%arg6 : memref<32768xf32, #tpu.memory_space<vmem>>)
    "tpu.region"() ({
      %run_scoped3A = tpu.sem_alloc : memref<!tpu.dma_semaphore, #tpu.memory_space<semaphore_mem>>
      %dma_start3A_10 = tpu.memref_slice %arg4[%add3A_6] : memref<1048576xf32, #tpu.memory_space<hbm>> -> memref<32768xf32, #tpu.memory_space<hbm>>
      %dma_start3A_11 = tpu.memref_slice %arg4[%add3A_6] : memref<1048576xf32, #tpu.memory_space<hbm>> -> memref<32768xf32, #tpu.memory_space<hbm>>
      tpu.enqueue_dma source(%arg6 : memref<32768xf32, #tpu.memory_space<vmem>>) target(%dma_start3A_11 : memref<32768xf32, #tpu.memory_space<hbm>>) target_semaphore(%run_scoped3A : memref<!tpu.dma_semaphore, #tpu.memory_space<semaphore_mem>>)
      %dma_wait3A_12 = tpu.memref_slice %arg4[%add3A_6] : memref<1048576xf32, #tpu.memory_space<hbm>> -> memref<32768xf32, #tpu.memory_space<hbm>>
      %dma_wait3A_13 = tpu.memref_slice %arg4[%add3A_6] : memref<1048576xf32, #tpu.memory_space<hbm>> -> memref<32768xf32, #tpu.memory_space<hbm>>
      tpu.wait_dma2 semaphore(%run_scoped3A : memref<!tpu.dma_semaphore, #tpu.memory_space<semaphore_mem>>) src(%arg6 : memref<32768xf32, #tpu.memory_space<vmem>>) dst(%dma_wait3A_13 : memref<32768xf32, #tpu.memory_space<hbm>>)
      tpu.yield
    }) : () -> ()
    %scan3A_9 = arith.constant 1 : i32
    return
  }
}

#map = affine_map<(d0, d1) -> (0, 0)>
#map1 = affine_map<(d0, d1) -> (0)>
module attributes {stable_mosaic.version = 14 : i64} {
  func.func @_row_gather(%arg0: i32, %arg1: i32, %arg2: memref<100000x128xf32, #tpu.memory_space<hbm>>, %arg3: memref<1024xi32, #tpu.memory_space<hbm>>, %arg4: memref<1024x128xf32, #tpu.memory_space<hbm>>, %arg5: memref<32xi32, #tpu.memory_space<vmem>>, %arg6: memref<32x128xf32, #tpu.memory_space<vmem>>, %arg7: memref<!tpu.dma_semaphore, #tpu.memory_space<semaphore_mem>>) attributes {dimension_semantics = [#tpu.dimension_semantics<core_parallel>, #tpu.dimension_semantics<subcore_parallel>], iteration_bounds = array<i64: 2, 16>, scalar_prefetch = 0 : i64, scratch_operands = 3 : i64, tpu.core_type = #tpu.core_type<sc_vector_subcore>, window_params = [{transform_indices = #map}, {transform_indices = #map1}, {transform_indices = #map}]} {
    %mul3A = arith.constant 2 : i32
    %mul3A_0 = arith.muli %arg1, %mul3A : i32
    %add3A = arith.addi %mul3A_0, %arg0 : i32
    %mul3A_1 = arith.constant 32 : i32
    %mul3A_2 = arith.muli %add3A, %mul3A_1 : i32
    "tpu.region"() ({
      %run_scoped3A = tpu.sem_alloc : memref<!tpu.dma_semaphore, #tpu.memory_space<semaphore_mem>>
      %dma_start3A_7 = tpu.memref_slice %arg3[%mul3A_2] : memref<1024xi32, #tpu.memory_space<hbm>> -> memref<32xi32, #tpu.memory_space<hbm>>
      %dma_start3A_8 = tpu.memref_slice %arg3[%mul3A_2] : memref<1024xi32, #tpu.memory_space<hbm>> -> memref<32xi32, #tpu.memory_space<hbm>>
      tpu.enqueue_dma source(%dma_start3A_8 : memref<32xi32, #tpu.memory_space<hbm>>) target(%arg5 : memref<32xi32, #tpu.memory_space<vmem>>) target_semaphore(%run_scoped3A : memref<!tpu.dma_semaphore, #tpu.memory_space<semaphore_mem>>)
      %dma_wait3A_9 = tpu.memref_slice %arg3[%mul3A_2] : memref<1024xi32, #tpu.memory_space<hbm>> -> memref<32xi32, #tpu.memory_space<hbm>>
      %dma_wait3A_10 = tpu.memref_slice %arg3[%mul3A_2] : memref<1024xi32, #tpu.memory_space<hbm>> -> memref<32xi32, #tpu.memory_space<hbm>>
      tpu.wait_dma2 semaphore(%run_scoped3A : memref<!tpu.dma_semaphore, #tpu.memory_space<semaphore_mem>>) src(%dma_wait3A_10 : memref<32xi32, #tpu.memory_space<hbm>>) dst(%arg5 : memref<32xi32, #tpu.memory_space<vmem>>)
      tpu.yield
    }) : () -> ()
    %dma_start3A = arith.constant 0 : i32
    %dma_start3A_3 = arith.constant 0 : i32
    %dma_start3A_4 = tpu.memref_slice %arg2[%dma_start3A, %dma_start3A_3] : memref<100000x128xf32, #tpu.memory_space<hbm>> -> memref<100000x128xf32, #tpu.memory_space<hbm>>
    tpu.enqueue_indirect_dma source(%dma_start3A_4 : memref<100000x128xf32, #tpu.memory_space<hbm>>) target(%arg6 : memref<32x128xf32, #tpu.memory_space<vmem>>) offsets(%arg5 : memref<32xi32, #tpu.memory_space<vmem>>) semaphore(%arg7 : memref<!tpu.dma_semaphore, #tpu.memory_space<semaphore_mem>>)
    %dma_wait3A = arith.constant 0 : i32
    %dma_wait3A_5 = arith.constant 0 : i32
    %dma_wait3A_6 = tpu.memref_slice %arg2[%dma_wait3A, %dma_wait3A_5] : memref<100000x128xf32, #tpu.memory_space<hbm>> -> memref<100000x128xf32, #tpu.memory_space<hbm>>
    tpu.wait_indirect_dma semaphore(%arg7 : memref<!tpu.dma_semaphore, #tpu.memory_space<semaphore_mem>>) src(%dma_wait3A_6 : memref<100000x128xf32, #tpu.memory_space<hbm>>) dst(%arg6 : memref<32x128xf32, #tpu.memory_space<vmem>>)
    "tpu.region"() ({
      %run_scoped3A = tpu.sem_alloc : memref<!tpu.dma_semaphore, #tpu.memory_space<semaphore_mem>>
      %dma_start3A_7 = arith.constant 0 : i32
      %dma_start3A_8 = tpu.memref_slice %arg4[%mul3A_2, %dma_start3A_7] : memref<1024x128xf32, #tpu.memory_space<hbm>> -> memref<32x128xf32, #tpu.memory_space<hbm>>
      %dma_start3A_9 = arith.constant 0 : i32
      %dma_start3A_10 = tpu.memref_slice %arg4[%mul3A_2, %dma_start3A_9] : memref<1024x128xf32, #tpu.memory_space<hbm>> -> memref<32x128xf32, #tpu.memory_space<hbm>>
      tpu.enqueue_dma source(%arg6 : memref<32x128xf32, #tpu.memory_space<vmem>>) target(%dma_start3A_10 : memref<32x128xf32, #tpu.memory_space<hbm>>) target_semaphore(%run_scoped3A : memref<!tpu.dma_semaphore, #tpu.memory_space<semaphore_mem>>)
      %dma_wait3A_11 = arith.constant 0 : i32
      %dma_wait3A_12 = tpu.memref_slice %arg4[%mul3A_2, %dma_wait3A_11] : memref<1024x128xf32, #tpu.memory_space<hbm>> -> memref<32x128xf32, #tpu.memory_space<hbm>>
      %dma_wait3A_13 = arith.constant 0 : i32
      %dma_wait3A_14 = tpu.memref_slice %arg4[%mul3A_2, %dma_wait3A_13] : memref<1024x128xf32, #tpu.memory_space<hbm>> -> memref<32x128xf32, #tpu.memory_space<hbm>>
      tpu.wait_dma2 semaphore(%run_scoped3A : memref<!tpu.dma_semaphore, #tpu.memory_space<semaphore_mem>>) src(%arg6 : memref<32x128xf32, #tpu.memory_space<vmem>>) dst(%dma_wait3A_14 : memref<32x128xf32, #tpu.memory_space<hbm>>)
      tpu.yield
    }) : () -> ()
    return
  }
}

module attributes {stable_mosaic.version = 14 : i64} {
  func.func @_emb_body(%arg0: memref<1024x2048xf32, #tpu.memory_space<vmem>>, %arg1: memref<128x2048xf32, #tpu.memory_space<vmem>>, %arg2: memref<1x128xf32, #tpu.memory_space<vmem>>, %arg3: memref<1024x128xf32, #tpu.memory_space<vmem>>, %arg4: memref<1024x128xbf16, #tpu.memory_space<vmem>>) attributes {dimension_semantics = [], scalar_prefetch = 0 : i64, scratch_operands = 0 : i64, tpu.core_type = #tpu.core_type<tc>} {
    %get3A = arith.constant 0 : index
    %get3A_0 = arith.constant 0 : index
    %get3A_1 = vector.load %arg0[%get3A, %get3A_0] : memref<1024x2048xf32, #tpu.memory_space<vmem>>, vector<1024x2048xf32>
    %get3A_2 = arith.constant 0 : index
    %get3A_3 = arith.constant 0 : index
    %get3A_4 = vector.load %arg1[%get3A_2, %get3A_3] : memref<128x2048xf32, #tpu.memory_space<vmem>>, vector<128x2048xf32>
    %dot_general3A = arith.constant dense<0.000000e+00> : vector<1024x128xf32>
    %dot_general3A_5 = tpu.matmul %get3A_1, %get3A_4, %dot_general3A {dimension_numbers = #tpu.dot_dimension_numbers<[1], [1], [0], [0], [0, 0, 1, 0], [], []>, precision = #tpu.contract_precision<fp32>, transpose_lhs_hint = false} : vector<1024x2048xf32>, vector<128x2048xf32>, vector<1024x128xf32> -> vector<1024x128xf32>
    %get3A_6 = arith.constant 0 : index
    %get3A_7 = arith.constant 0 : index
    %get3A_8 = vector.load %arg2[%get3A_6, %get3A_7] : memref<1x128xf32, #tpu.memory_space<vmem>>, vector<1x128xf32>
    %add3A = vector.broadcast %get3A_8 : vector<1x128xf32> to vector<1024x128xf32>
    %add3A_9 = arith.addf %dot_general3A_5, %add3A : vector<1024x128xf32>
    %mul3A = arith.mulf %add3A_9, %add3A_9 : vector<1024x128xf32>
    %reduce_sum3A = arith.constant dense<0.000000e+00> : vector<1024xf32>
    %reduce_sum3A_10 = vector.multi_reduction <add>, %mul3A, %reduce_sum3A [1] : vector<1024x128xf32> to vector<1024xf32>
    %broadcast_in_dim3A = vector.shape_cast %reduce_sum3A_10 : vector<1024xf32> to vector<1024x1xf32>
    %sqrt3A = math.sqrt %broadcast_in_dim3A : vector<1024x1xf32>
    %div3A = vector.broadcast %sqrt3A : vector<1024x1xf32> to vector<1024x128xf32>
    %div3A_11 = arith.divf %add3A_9, %div3A : vector<1024x128xf32>
    %swap3A = arith.constant 0 : index
    %swap3A_12 = arith.constant 0 : index
    %swap3A_13 = vector.load %arg3[%swap3A, %swap3A_12] : memref<1024x128xf32, #tpu.memory_space<vmem>>, vector<1024x128xf32>
    tpu.vector_store %arg3[%swap3A, %swap3A_12], %div3A_11 {strides = array<i32>} : memref<1024x128xf32, #tpu.memory_space<vmem>>, vector<1024x128xf32>,
    %convert_element_type3A = arith.truncf %div3A_11 : vector<1024x128xf32> to vector<1024x128xbf16>
    %swap3A_14 = arith.constant 0 : index
    %swap3A_15 = arith.constant 0 : index
    %swap3A_16 = vector.load %arg4[%swap3A_14, %swap3A_15] : memref<1024x128xbf16, #tpu.memory_space<vmem>>, vector<1024x128xbf16>
    tpu.vector_store %arg4[%swap3A_14, %swap3A_15], %convert_element_type3A {strides = array<i32>} : memref<1024x128xbf16, #tpu.memory_space<vmem>>, vector<1024x128xbf16>,
    return
  }
}

module attributes {stable_mosaic.version = 14 : i64} {
  func.func @_score_body(%arg0: i32, %arg1: memref<1000x128xf32, #tpu.memory_space<vmem>>, %arg2: memref<1024x128xbf16, #tpu.memory_space<vmem>>, %arg3: memref<1024000xf32, #tpu.memory_space<vmem>>) attributes {dimension_semantics = [#tpu.dimension_semantics<arbitrary>], iteration_bounds = array<i64: 25>, scalar_prefetch = 0 : i64, scratch_operands = 0 : i64, tpu.core_type = #tpu.core_type<tc>, window_params = [{transform_indices = @transform_0, window_bounds = array<i64: 1000, 128>}, {pipeline_mode = #tpu.pipeline_mode<synchronous>, transform_indices = @transform_1, window_bounds = array<i64: 1024, 128>}, {transform_indices = @transform_2, window_bounds = array<i64: 1024000>}]} {
    %get3A = arith.constant 0 : index
    %get3A_0 = arith.constant 0 : index
    %get3A_1 = vector.load %arg1[%get3A, %get3A_0] : memref<1000x128xf32, #tpu.memory_space<vmem>>, vector<1000x128xf32>
    %convert_element_type3A = arith.truncf %get3A_1 : vector<1000x128xf32> to vector<1000x128xbf16>
    %get3A_2 = arith.constant 0 : index
    %get3A_3 = arith.constant 0 : index
    %get3A_4 = vector.load %arg2[%get3A_2, %get3A_3] : memref<1024x128xbf16, #tpu.memory_space<vmem>>, vector<1024x128xbf16>
    %dot_general3A = arith.constant dense<0.000000e+00> : vector<1000x1024xf32>
    %dot_general3A_5 = tpu.matmul %convert_element_type3A, %get3A_4, %dot_general3A {dimension_numbers = #tpu.dot_dimension_numbers<[1], [1], [0], [0], [0, 0, 1, 0], [], []>, transpose_lhs_hint = false} : vector<1000x128xbf16>, vector<1024x128xbf16>, vector<1000x1024xf32> -> vector<1000x1024xf32>
    %reshape3A = vector.shape_cast %dot_general3A_5 : vector<1000x1024xf32> to vector<1024000xf32>
    %swap3A = arith.constant 0 : index
    %swap3A_6 = vector.load %arg3[%swap3A] : memref<1024000xf32, #tpu.memory_space<vmem>>, vector<1024000xf32>
    tpu.vector_store %arg3[%swap3A], %reshape3A {strides = array<i32>} : memref<1024000xf32, #tpu.memory_space<vmem>>, vector<1024000xf32>,
    return
  }
  func.func @transform_0(%arg0: i32) -> (i32, i32) {
    %add3A = arith.constant 50 : i32
    %add3A_0 = arith.addi %add3A, %arg0 : i32
    %c0_i32 = arith.constant 0 : i32
    %c0_i32_1 = arith.constant 0 : i32
    return %add3A_0, %c0_i32 : i32, i32
  }
  func.func @transform_1(%arg0: i32) -> (i32, i32) {
    %c0_i32 = arith.constant 0 : i32
    %c0_i32_0 = arith.constant 0 : i32
    %c0_i32_1 = arith.constant 0 : i32
    return %c0_i32, %c0_i32_0 : i32, i32
  }
  func.func @transform_2(%arg0: i32) -> i32 {
    %c0_i32 = arith.constant 0 : i32
    return %arg0 : i32
  }
}

module attributes {stable_mosaic.version = 14 : i64} {
  func.func @_score_body(%arg0: i32, %arg1: memref<1000x128xf32, #tpu.memory_space<vmem>>, %arg2: memref<1024x128xbf16, #tpu.memory_space<vmem>>, %arg3: memref<1024000xf32, #tpu.memory_space<vmem>>) attributes {dimension_semantics = [#tpu.dimension_semantics<arbitrary>], iteration_bounds = array<i64: 25>, scalar_prefetch = 0 : i64, scratch_operands = 0 : i64, tpu.core_type = #tpu.core_type<tc>, window_params = [{transform_indices = @transform_0, window_bounds = array<i64: 1000, 128>}, {pipeline_mode = #tpu.pipeline_mode<synchronous>, transform_indices = @transform_1, window_bounds = array<i64: 1024, 128>}, {transform_indices = @transform_2, window_bounds = array<i64: 1024000>}]} {
    %get3A = arith.constant 0 : index
    %get3A_0 = arith.constant 0 : index
    %get3A_1 = vector.load %arg1[%get3A, %get3A_0] : memref<1000x128xf32, #tpu.memory_space<vmem>>, vector<1000x128xf32>
    %convert_element_type3A = arith.truncf %get3A_1 : vector<1000x128xf32> to vector<1000x128xbf16>
    %get3A_2 = arith.constant 0 : index
    %get3A_3 = arith.constant 0 : index
    %get3A_4 = vector.load %arg2[%get3A_2, %get3A_3] : memref<1024x128xbf16, #tpu.memory_space<vmem>>, vector<1024x128xbf16>
    %dot_general3A = arith.constant dense<0.000000e+00> : vector<1000x1024xf32>
    %dot_general3A_5 = tpu.matmul %convert_element_type3A, %get3A_4, %dot_general3A {dimension_numbers = #tpu.dot_dimension_numbers<[1], [1], [0], [0], [0, 0, 1, 0], [], []>, transpose_lhs_hint = false} : vector<1000x128xbf16>, vector<1024x128xbf16>, vector<1000x1024xf32> -> vector<1000x1024xf32>
    %reshape3A = vector.shape_cast %dot_general3A_5 : vector<1000x1024xf32> to vector<1024000xf32>
    %swap3A = arith.constant 0 : index
    %swap3A_6 = vector.load %arg3[%swap3A] : memref<1024000xf32, #tpu.memory_space<vmem>>, vector<1024000xf32>
    tpu.vector_store %arg3[%swap3A], %reshape3A {strides = array<i32>} : memref<1024000xf32, #tpu.memory_space<vmem>>, vector<1024000xf32>,
    return
  }
  func.func @transform_0(%arg0: i32) -> (i32, i32) {
    %add3A = arith.constant 75 : i32
    %add3A_0 = arith.addi %add3A, %arg0 : i32
    %c0_i32 = arith.constant 0 : i32
    %c0_i32_1 = arith.constant 0 : i32
    return %add3A_0, %c0_i32 : i32, i32
  }
  func.func @transform_1(%arg0: i32) -> (i32, i32) {
    %c0_i32 = arith.constant 0 : i32
    %c0_i32_0 = arith.constant 0 : i32
    %c0_i32_1 = arith.constant 0 : i32
    return %c0_i32, %c0_i32_0 : i32, i32
  }
  func.func @transform_2(%arg0: i32) -> i32 {
    %c0_i32 = arith.constant 0 : i32
    return %arg0 : i32
  }
}

module attributes {stable_mosaic.version = 14 : i64} {
  func.func @_score_body(%arg0: i32, %arg1: memref<1000x128xf32, #tpu.memory_space<vmem>>, %arg2: memref<1024x128xbf16, #tpu.memory_space<vmem>>, %arg3: memref<1024000xf32, #tpu.memory_space<vmem>>) attributes {dimension_semantics = [#tpu.dimension_semantics<arbitrary>], iteration_bounds = array<i64: 25>, scalar_prefetch = 0 : i64, scratch_operands = 0 : i64, tpu.core_type = #tpu.core_type<tc>, window_params = [{transform_indices = @transform_0, window_bounds = array<i64: 1000, 128>}, {pipeline_mode = #tpu.pipeline_mode<synchronous>, transform_indices = @transform_1, window_bounds = array<i64: 1024, 128>}, {transform_indices = @transform_2, window_bounds = array<i64: 1024000>}]} {
    %get3A = arith.constant 0 : index
    %get3A_0 = arith.constant 0 : index
    %get3A_1 = vector.load %arg1[%get3A, %get3A_0] : memref<1000x128xf32, #tpu.memory_space<vmem>>, vector<1000x128xf32>
    %convert_element_type3A = arith.truncf %get3A_1 : vector<1000x128xf32> to vector<1000x128xbf16>
    %get3A_2 = arith.constant 0 : index
    %get3A_3 = arith.constant 0 : index
    %get3A_4 = vector.load %arg2[%get3A_2, %get3A_3] : memref<1024x128xbf16, #tpu.memory_space<vmem>>, vector<1024x128xbf16>
    %dot_general3A = arith.constant dense<0.000000e+00> : vector<1000x1024xf32>
    %dot_general3A_5 = tpu.matmul %convert_element_type3A, %get3A_4, %dot_general3A {dimension_numbers = #tpu.dot_dimension_numbers<[1], [1], [0], [0], [0, 0, 1, 0], [], []>, transpose_lhs_hint = false} : vector<1000x128xbf16>, vector<1024x128xbf16>, vector<1000x1024xf32> -> vector<1000x1024xf32>
    %reshape3A = vector.shape_cast %dot_general3A_5 : vector<1000x1024xf32> to vector<1024000xf32>
    %swap3A = arith.constant 0 : index
    %swap3A_6 = vector.load %arg3[%swap3A] : memref<1024000xf32, #tpu.memory_space<vmem>>, vector<1024000xf32>
    tpu.vector_store %arg3[%swap3A], %reshape3A {strides = array<i32>} : memref<1024000xf32, #tpu.memory_space<vmem>>, vector<1024000xf32>,
    return
  }
  func.func @transform_0(%arg0: i32) -> (i32, i32) {
    %add3A = arith.constant 0 : i32
    %add3A_0 = arith.addi %add3A, %arg0 : i32
    %c0_i32 = arith.constant 0 : i32
    %c0_i32_1 = arith.constant 0 : i32
    return %add3A_0, %c0_i32 : i32, i32
  }
  func.func @transform_1(%arg0: i32) -> (i32, i32) {
    %c0_i32 = arith.constant 0 : i32
    %c0_i32_0 = arith.constant 0 : i32
    %c0_i32_1 = arith.constant 0 : i32
    return %c0_i32, %c0_i32_0 : i32, i32
  }
  func.func @transform_2(%arg0: i32) -> i32 {
    %c0_i32 = arith.constant 0 : i32
    return %arg0 : i32
  }
}

module attributes {stable_mosaic.version = 14 : i64} {
  func.func @_score_body(%arg0: i32, %arg1: memref<1000x128xf32, #tpu.memory_space<vmem>>, %arg2: memref<1024x128xbf16, #tpu.memory_space<vmem>>, %arg3: memref<1024000xf32, #tpu.memory_space<vmem>>) attributes {dimension_semantics = [#tpu.dimension_semantics<arbitrary>], iteration_bounds = array<i64: 25>, scalar_prefetch = 0 : i64, scratch_operands = 0 : i64, tpu.core_type = #tpu.core_type<tc>, window_params = [{transform_indices = @transform_0, window_bounds = array<i64: 1000, 128>}, {pipeline_mode = #tpu.pipeline_mode<synchronous>, transform_indices = @transform_1, window_bounds = array<i64: 1024, 128>}, {transform_indices = @transform_2, window_bounds = array<i64: 1024000>}]} {
    %get3A = arith.constant 0 : index
    %get3A_0 = arith.constant 0 : index
    %get3A_1 = vector.load %arg1[%get3A, %get3A_0] : memref<1000x128xf32, #tpu.memory_space<vmem>>, vector<1000x128xf32>
    %convert_element_type3A = arith.truncf %get3A_1 : vector<1000x128xf32> to vector<1000x128xbf16>
    %get3A_2 = arith.constant 0 : index
    %get3A_3 = arith.constant 0 : index
    %get3A_4 = vector.load %arg2[%get3A_2, %get3A_3] : memref<1024x128xbf16, #tpu.memory_space<vmem>>, vector<1024x128xbf16>
    %dot_general3A = arith.constant dense<0.000000e+00> : vector<1000x1024xf32>
    %dot_general3A_5 = tpu.matmul %convert_element_type3A, %get3A_4, %dot_general3A {dimension_numbers = #tpu.dot_dimension_numbers<[1], [1], [0], [0], [0, 0, 1, 0], [], []>, transpose_lhs_hint = false} : vector<1000x128xbf16>, vector<1024x128xbf16>, vector<1000x1024xf32> -> vector<1000x1024xf32>
    %reshape3A = vector.shape_cast %dot_general3A_5 : vector<1000x1024xf32> to vector<1024000xf32>
    %swap3A = arith.constant 0 : index
    %swap3A_6 = vector.load %arg3[%swap3A] : memref<1024000xf32, #tpu.memory_space<vmem>>, vector<1024000xf32>
    tpu.vector_store %arg3[%swap3A], %reshape3A {strides = array<i32>} : memref<1024000xf32, #tpu.memory_space<vmem>>, vector<1024000xf32>,
    return
  }
  func.func @transform_0(%arg0: i32) -> (i32, i32) {
    %add3A = arith.constant 25 : i32
    %add3A_0 = arith.addi %add3A, %arg0 : i32
    %c0_i32 = arith.constant 0 : i32
    %c0_i32_1 = arith.constant 0 : i32
    return %add3A_0, %c0_i32 : i32, i32
  }
  func.func @transform_1(%arg0: i32) -> (i32, i32) {
    %c0_i32 = arith.constant 0 : i32
    %c0_i32_0 = arith.constant 0 : i32
    %c0_i32_1 = arith.constant 0 : i32
    return %c0_i32, %c0_i32_0 : i32, i32
  }
  func.func @transform_2(%arg0: i32) -> i32 {
    %c0_i32 = arith.constant 0 : i32
    return %arg0 : i32
  }
}

module attributes {stable_mosaic.version = 14 : i64} {
  func.func @body(%arg0: memref<1049600xf32, #tpu.memory_space<vmem>>, %arg1: memref<1x128xf32, #tpu.memory_space<vmem>>) attributes {dimension_semantics = [], scalar_prefetch = 0 : i64, scratch_operands = 0 : i64, tpu.core_type = #tpu.core_type<tc>} {
    %get3A = arith.constant 0 : index
    %get3A_0 = vector.load %arg0[%get3A] : memref<1049600xf32, #tpu.memory_space<vmem>>, vector<1049600xf32>
    %div3A = arith.constant 7.000000e-02 : f32
    %div3A_1 = vector.broadcast %div3A : f32 to vector<1049600xf32>
    %div3A_2 = arith.divf %get3A_0, %div3A_1 : vector<1049600xf32>
    %exp3A = math.exp %div3A_2 : vector<1049600xf32>
    %div3A_3 = arith.constant 224555.75 : f32
    %div3A_4 = vector.broadcast %div3A_3 : f32 to vector<1049600xf32>
    %div3A_5 = arith.divf %exp3A, %div3A_4 : vector<1049600xf32>
    %add3A = arith.constant 4.096010e-02 : f32
    %add3A_6 = vector.broadcast %add3A : f32 to vector<1049600xf32>
    %add3A_7 = arith.addf %div3A_5, %add3A_6 : vector<1049600xf32>
    %log3A = math.log %add3A_7 : vector<1049600xf32>
    %sub3A = arith.constant -3.1951592 : f32
    %sub3A_8 = vector.broadcast %sub3A : f32 to vector<1049600xf32>
    %sub3A_9 = arith.subf %sub3A_8, %log3A : vector<1049600xf32>
    %reduce_sum3A = vector.shape_cast %sub3A_9 : vector<1049600xf32> to vector<1x1049600xf32>
    %reduce_sum3A_10 = arith.constant dense<0.000000e+00> : vector<1xf32>
    %reduce_sum3A_11 = vector.multi_reduction <add>, %reduce_sum3A, %reduce_sum3A_10 [1] : vector<1x1049600xf32> to vector<1xf32>
    %reduce_sum3A_12 = vector.shape_cast %reduce_sum3A_11 : vector<1xf32> to vector<1x1xf32>
    %reduce_sum3A_13 = vector.extract %reduce_sum3A_12[0, 0] : f32 from vector<1x1xf32>
    %get3A_14 = arith.constant 0 : index
    %get3A_15 = vector.load %arg0[%get3A_14] : memref<1049600xf32, #tpu.memory_space<vmem>>, vector<128xf32>
    %iota3A = tpu.iota {dimensions = array<i32: 1>} : vector<1x128xi32>
    %iota3A_16 = vector.shape_cast %iota3A : vector<1x128xi32> to vector<128xi32>
    %eq3A = arith.constant 0 : i32
    %eq3A_17 = vector.broadcast %eq3A : i32 to vector<128xi32>
    %eq3A_18 = arith.cmpi eq, %iota3A_16, %eq3A_17 : vector<128xi32>
    %jit3A = arith.constant 0.000000e+00 : f32
    %broadcast_in_dim3A = vector.broadcast %jit3A : f32 to vector<128xf32>
    %select_n3A = arith.select %eq3A_18, %get3A_15, %broadcast_in_dim3A : vector<128xi1>, vector<128xf32>
    %reduce_sum3A_19 = vector.shape_cast %select_n3A : vector<128xf32> to vector<1x128xf32>
    %reduce_sum3A_20 = arith.constant dense<0.000000e+00> : vector<1xf32>
    %reduce_sum3A_21 = vector.multi_reduction <add>, %reduce_sum3A_19, %reduce_sum3A_20 [1] : vector<1x128xf32> to vector<1xf32>
    %reduce_sum3A_22 = vector.shape_cast %reduce_sum3A_21 : vector<1xf32> to vector<1x1xf32>
    %reduce_sum3A_23 = vector.extract %reduce_sum3A_22[0, 0] : f32 from vector<1x1xf32>
    %div3A_24 = arith.constant 7.000000e-02 : f32
    %div3A_25 = arith.divf %reduce_sum3A_23, %div3A_24 : f32
    %exp3A_26 = math.exp %div3A_25 : f32
    %div3A_27 = arith.constant 224555.75 : f32
    %div3A_28 = arith.divf %exp3A_26, %div3A_27 : f32
    %add3A_29 = arith.constant 4.096010e-02 : f32
    %add3A_30 = arith.addf %div3A_28, %add3A_29 : f32
    %log3A_31 = math.log %add3A_30 : f32
    %sub3A_32 = arith.constant -3.1951592 : f32
    %sub3A_33 = arith.subf %sub3A_32, %log3A_31 : f32
    %mul3A = arith.constant 3.320000e+02 : f32
    %mul3A_34 = arith.mulf %mul3A, %sub3A_33 : f32
    %sub3A_35 = arith.subf %reduce_sum3A_13, %mul3A_34 : f32
    %broadcast_in_dim3A_36 = vector.broadcast %sub3A_35 : f32 to vector<1x128xf32>
    %swap3A = arith.constant 0 : index
    %swap3A_37 = arith.constant 0 : index
    %swap3A_38 = vector.load %arg1[%swap3A, %swap3A_37] : memref<1x128xf32, #tpu.memory_space<vmem>>, vector<1x128xf32>
    tpu.vector_store %arg1[%swap3A, %swap3A_37], %broadcast_in_dim3A_36 {strides = array<i32>} : memref<1x128xf32, #tpu.memory_space<vmem>>, vector<1x128xf32>,
    return
  }
}

module attributes {stable_mosaic.version = 14 : i64} {
  func.func @body(%arg0: memref<1048576xf32, #tpu.memory_space<vmem>>, %arg1: memref<1x128xf32, #tpu.memory_space<vmem>>) attributes {dimension_semantics = [], scalar_prefetch = 0 : i64, scratch_operands = 0 : i64, tpu.core_type = #tpu.core_type<tc>} {
    %get3A = arith.constant 0 : index
    %get3A_0 = vector.load %arg0[%get3A] : memref<1048576xf32, #tpu.memory_space<vmem>>, vector<1048576xf32>
    %div3A = arith.constant 7.000000e-02 : f32
    %div3A_1 = vector.broadcast %div3A : f32 to vector<1048576xf32>
    %div3A_2 = arith.divf %get3A_0, %div3A_1 : vector<1048576xf32>
    %exp3A = math.exp %div3A_2 : vector<1048576xf32>
    %div3A_3 = arith.constant 224555.75 : f32
    %div3A_4 = vector.broadcast %div3A_3 : f32 to vector<1048576xf32>
    %div3A_5 = arith.divf %exp3A, %div3A_4 : vector<1048576xf32>
    %add3A = arith.constant 4.096010e-02 : f32
    %add3A_6 = vector.broadcast %add3A : f32 to vector<1048576xf32>
    %add3A_7 = arith.addf %div3A_5, %add3A_6 : vector<1048576xf32>
    %log3A = math.log %add3A_7 : vector<1048576xf32>
    %sub3A = arith.constant -3.1951592 : f32
    %sub3A_8 = vector.broadcast %sub3A : f32 to vector<1048576xf32>
    %sub3A_9 = arith.subf %sub3A_8, %log3A : vector<1048576xf32>
    %reduce_sum3A = vector.shape_cast %sub3A_9 : vector<1048576xf32> to vector<1x1048576xf32>
    %reduce_sum3A_10 = arith.constant dense<0.000000e+00> : vector<1xf32>
    %reduce_sum3A_11 = vector.multi_reduction <add>, %reduce_sum3A, %reduce_sum3A_10 [1] : vector<1x1048576xf32> to vector<1xf32>
    %reduce_sum3A_12 = vector.shape_cast %reduce_sum3A_11 : vector<1xf32> to vector<1x1xf32>
    %reduce_sum3A_13 = vector.extract %reduce_sum3A_12[0, 0] : f32 from vector<1x1xf32>
    %get3A_14 = arith.constant 0 : index
    %get3A_15 = vector.load %arg0[%get3A_14] : memref<1048576xf32, #tpu.memory_space<vmem>>, vector<128xf32>
    %iota3A = tpu.iota {dimensions = array<i32: 1>} : vector<1x128xi32>
    %iota3A_16 = vector.shape_cast %iota3A : vector<1x128xi32> to vector<128xi32>
    %eq3A = arith.constant 0 : i32
    %eq3A_17 = vector.broadcast %eq3A : i32 to vector<128xi32>
    %eq3A_18 = arith.cmpi eq, %iota3A_16, %eq3A_17 : vector<128xi32>
    %jit3A = arith.constant 0.000000e+00 : f32
    %broadcast_in_dim3A = vector.broadcast %jit3A : f32 to vector<128xf32>
    %select_n3A = arith.select %eq3A_18, %get3A_15, %broadcast_in_dim3A : vector<128xi1>, vector<128xf32>
    %reduce_sum3A_19 = vector.shape_cast %select_n3A : vector<128xf32> to vector<1x128xf32>
    %reduce_sum3A_20 = arith.constant dense<0.000000e+00> : vector<1xf32>
    %reduce_sum3A_21 = vector.multi_reduction <add>, %reduce_sum3A_19, %reduce_sum3A_20 [1] : vector<1x128xf32> to vector<1xf32>
    %reduce_sum3A_22 = vector.shape_cast %reduce_sum3A_21 : vector<1xf32> to vector<1x1xf32>
    %reduce_sum3A_23 = vector.extract %reduce_sum3A_22[0, 0] : f32 from vector<1x1xf32>
    %div3A_24 = arith.constant 7.000000e-02 : f32
    %div3A_25 = arith.divf %reduce_sum3A_23, %div3A_24 : f32
    %exp3A_26 = math.exp %div3A_25 : f32
    %div3A_27 = arith.constant 224555.75 : f32
    %div3A_28 = arith.divf %exp3A_26, %div3A_27 : f32
    %add3A_29 = arith.constant 4.096010e-02 : f32
    %add3A_30 = arith.addf %div3A_28, %add3A_29 : f32
    %log3A_31 = math.log %add3A_30 : f32
    %sub3A_32 = arith.constant -3.1951592 : f32
    %sub3A_33 = arith.subf %sub3A_32, %log3A_31 : f32
    %mul3A = arith.constant 4.030000e+02 : f32
    %mul3A_34 = arith.mulf %mul3A, %sub3A_33 : f32
    %sub3A_35 = arith.subf %reduce_sum3A_13, %mul3A_34 : f32
    %broadcast_in_dim3A_36 = vector.broadcast %sub3A_35 : f32 to vector<1x128xf32>
    %swap3A = arith.constant 0 : index
    %swap3A_37 = arith.constant 0 : index
    %swap3A_38 = vector.load %arg1[%swap3A, %swap3A_37] : memref<1x128xf32, #tpu.memory_space<vmem>>, vector<1x128xf32>
    tpu.vector_store %arg1[%swap3A, %swap3A_37], %broadcast_in_dim3A_36 {strides = array<i32>} : memref<1x128xf32, #tpu.memory_space<vmem>>, vector<1x128xf32>,
    return
  }
}

module attributes {stable_mosaic.version = 14 : i64} {
  func.func @body(%arg0: memref<1049600xf32, #tpu.memory_space<vmem>>, %arg1: memref<1x128xf32, #tpu.memory_space<vmem>>) attributes {dimension_semantics = [], scalar_prefetch = 0 : i64, scratch_operands = 0 : i64, tpu.core_type = #tpu.core_type<tc>} {
    %get3A = arith.constant 0 : index
    %get3A_0 = vector.load %arg0[%get3A] : memref<1049600xf32, #tpu.memory_space<vmem>>, vector<1049600xf32>
    %div3A = arith.constant 7.000000e-02 : f32
    %div3A_1 = vector.broadcast %div3A : f32 to vector<1049600xf32>
    %div3A_2 = arith.divf %get3A_0, %div3A_1 : vector<1049600xf32>
    %exp3A = math.exp %div3A_2 : vector<1049600xf32>
    %div3A_3 = arith.constant 224555.75 : f32
    %div3A_4 = vector.broadcast %div3A_3 : f32 to vector<1049600xf32>
    %div3A_5 = arith.divf %exp3A, %div3A_4 : vector<1049600xf32>
    %add3A = arith.constant 4.096010e-02 : f32
    %add3A_6 = vector.broadcast %add3A : f32 to vector<1049600xf32>
    %add3A_7 = arith.addf %div3A_5, %add3A_6 : vector<1049600xf32>
    %log3A = math.log %add3A_7 : vector<1049600xf32>
    %sub3A = arith.constant -3.1951592 : f32
    %sub3A_8 = vector.broadcast %sub3A : f32 to vector<1049600xf32>
    %sub3A_9 = arith.subf %sub3A_8, %log3A : vector<1049600xf32>
    %reduce_sum3A = vector.shape_cast %sub3A_9 : vector<1049600xf32> to vector<1x1049600xf32>
    %reduce_sum3A_10 = arith.constant dense<0.000000e+00> : vector<1xf32>
    %reduce_sum3A_11 = vector.multi_reduction <add>, %reduce_sum3A, %reduce_sum3A_10 [1] : vector<1x1049600xf32> to vector<1xf32>
    %reduce_sum3A_12 = vector.shape_cast %reduce_sum3A_11 : vector<1xf32> to vector<1x1xf32>
    %reduce_sum3A_13 = vector.extract %reduce_sum3A_12[0, 0] : f32 from vector<1x1xf32>
    %get3A_14 = arith.constant 0 : index
    %get3A_15 = vector.load %arg0[%get3A_14] : memref<1049600xf32, #tpu.memory_space<vmem>>, vector<128xf32>
    %iota3A = tpu.iota {dimensions = array<i32: 1>} : vector<1x128xi32>
    %iota3A_16 = vector.shape_cast %iota3A : vector<1x128xi32> to vector<128xi32>
    %eq3A = arith.constant 0 : i32
    %eq3A_17 = vector.broadcast %eq3A : i32 to vector<128xi32>
    %eq3A_18 = arith.cmpi eq, %iota3A_16, %eq3A_17 : vector<128xi32>
    %jit3A = arith.constant 0.000000e+00 : f32
    %broadcast_in_dim3A = vector.broadcast %jit3A : f32 to vector<128xf32>
    %select_n3A = arith.select %eq3A_18, %get3A_15, %broadcast_in_dim3A : vector<128xi1>, vector<128xf32>
    %reduce_sum3A_19 = vector.shape_cast %select_n3A : vector<128xf32> to vector<1x128xf32>
    %reduce_sum3A_20 = arith.constant dense<0.000000e+00> : vector<1xf32>
    %reduce_sum3A_21 = vector.multi_reduction <add>, %reduce_sum3A_19, %reduce_sum3A_20 [1] : vector<1x128xf32> to vector<1xf32>
    %reduce_sum3A_22 = vector.shape_cast %reduce_sum3A_21 : vector<1xf32> to vector<1x1xf32>
    %reduce_sum3A_23 = vector.extract %reduce_sum3A_22[0, 0] : f32 from vector<1x1xf32>
    %div3A_24 = arith.constant 7.000000e-02 : f32
    %div3A_25 = arith.divf %reduce_sum3A_23, %div3A_24 : f32
    %exp3A_26 = math.exp %div3A_25 : f32
    %div3A_27 = arith.constant 224555.75 : f32
    %div3A_28 = arith.divf %exp3A_26, %div3A_27 : f32
    %add3A_29 = arith.constant 4.096010e-02 : f32
    %add3A_30 = arith.addf %div3A_28, %add3A_29 : f32
    %log3A_31 = math.log %add3A_30 : f32
    %sub3A_32 = arith.constant -3.1951592 : f32
    %sub3A_33 = arith.subf %sub3A_32, %log3A_31 : f32
    %mul3A = arith.constant 5.100000e+02 : f32
    %mul3A_34 = arith.mulf %mul3A, %sub3A_33 : f32
    %sub3A_35 = arith.subf %reduce_sum3A_13, %mul3A_34 : f32
    %broadcast_in_dim3A_36 = vector.broadcast %sub3A_35 : f32 to vector<1x128xf32>
    %swap3A = arith.constant 0 : index
    %swap3A_37 = arith.constant 0 : index
    %swap3A_38 = vector.load %arg1[%swap3A, %swap3A_37] : memref<1x128xf32, #tpu.memory_space<vmem>>, vector<1x128xf32>
    tpu.vector_store %arg1[%swap3A, %swap3A_37], %broadcast_in_dim3A_36 {strides = array<i32>} : memref<1x128xf32, #tpu.memory_space<vmem>>, vector<1x128xf32>,
    return
  }
}

module attributes {stable_mosaic.version = 14 : i64} {
  func.func @body(%arg0: memref<1048576xf32, #tpu.memory_space<vmem>>, %arg1: memref<1x128xf32, #tpu.memory_space<vmem>>) attributes {dimension_semantics = [], scalar_prefetch = 0 : i64, scratch_operands = 0 : i64, tpu.core_type = #tpu.core_type<tc>} {
    %get3A = arith.constant 0 : index
    %get3A_0 = vector.load %arg0[%get3A] : memref<1048576xf32, #tpu.memory_space<vmem>>, vector<1048576xf32>
    %div3A = arith.constant 7.000000e-02 : f32
    %div3A_1 = vector.broadcast %div3A : f32 to vector<1048576xf32>
    %div3A_2 = arith.divf %get3A_0, %div3A_1 : vector<1048576xf32>
    %exp3A = math.exp %div3A_2 : vector<1048576xf32>
    %div3A_3 = arith.constant 224555.75 : f32
    %div3A_4 = vector.broadcast %div3A_3 : f32 to vector<1048576xf32>
    %div3A_5 = arith.divf %exp3A, %div3A_4 : vector<1048576xf32>
    %add3A = arith.constant 4.096010e-02 : f32
    %add3A_6 = vector.broadcast %add3A : f32 to vector<1048576xf32>
    %add3A_7 = arith.addf %div3A_5, %add3A_6 : vector<1048576xf32>
    %log3A = math.log %add3A_7 : vector<1048576xf32>
    %sub3A = arith.constant -3.1951592 : f32
    %sub3A_8 = vector.broadcast %sub3A : f32 to vector<1048576xf32>
    %sub3A_9 = arith.subf %sub3A_8, %log3A : vector<1048576xf32>
    %reduce_sum3A = vector.shape_cast %sub3A_9 : vector<1048576xf32> to vector<1x1048576xf32>
    %reduce_sum3A_10 = arith.constant dense<0.000000e+00> : vector<1xf32>
    %reduce_sum3A_11 = vector.multi_reduction <add>, %reduce_sum3A, %reduce_sum3A_10 [1] : vector<1x1048576xf32> to vector<1xf32>
    %reduce_sum3A_12 = vector.shape_cast %reduce_sum3A_11 : vector<1xf32> to vector<1x1xf32>
    %reduce_sum3A_13 = vector.extract %reduce_sum3A_12[0, 0] : f32 from vector<1x1xf32>
    %get3A_14 = arith.constant 0 : index
    %get3A_15 = vector.load %arg0[%get3A_14] : memref<1048576xf32, #tpu.memory_space<vmem>>, vector<128xf32>
    %iota3A = tpu.iota {dimensions = array<i32: 1>} : vector<1x128xi32>
    %iota3A_16 = vector.shape_cast %iota3A : vector<1x128xi32> to vector<128xi32>
    %eq3A = arith.constant 0 : i32
    %eq3A_17 = vector.broadcast %eq3A : i32 to vector<128xi32>
    %eq3A_18 = arith.cmpi eq, %iota3A_16, %eq3A_17 : vector<128xi32>
    %jit3A = arith.constant 0.000000e+00 : f32
    %broadcast_in_dim3A = vector.broadcast %jit3A : f32 to vector<128xf32>
    %select_n3A = arith.select %eq3A_18, %get3A_15, %broadcast_in_dim3A : vector<128xi1>, vector<128xf32>
    %reduce_sum3A_19 = vector.shape_cast %select_n3A : vector<128xf32> to vector<1x128xf32>
    %reduce_sum3A_20 = arith.constant dense<0.000000e+00> : vector<1xf32>
    %reduce_sum3A_21 = vector.multi_reduction <add>, %reduce_sum3A_19, %reduce_sum3A_20 [1] : vector<1x128xf32> to vector<1xf32>
    %reduce_sum3A_22 = vector.shape_cast %reduce_sum3A_21 : vector<1xf32> to vector<1x1xf32>
    %reduce_sum3A_23 = vector.extract %reduce_sum3A_22[0, 0] : f32 from vector<1x1xf32>
    %div3A_24 = arith.constant 7.000000e-02 : f32
    %div3A_25 = arith.divf %reduce_sum3A_23, %div3A_24 : f32
    %exp3A_26 = math.exp %div3A_25 : f32
    %div3A_27 = arith.constant 224555.75 : f32
    %div3A_28 = arith.divf %exp3A_26, %div3A_27 : f32
    %add3A_29 = arith.constant 4.096010e-02 : f32
    %add3A_30 = arith.addf %div3A_28, %add3A_29 : f32
    %log3A_31 = math.log %add3A_30 : f32
    %sub3A_32 = arith.constant -3.1951592 : f32
    %sub3A_33 = arith.subf %sub3A_32, %log3A_31 : f32
    %mul3A = arith.constant 8.030000e+02 : f32
    %mul3A_34 = arith.mulf %mul3A, %sub3A_33 : f32
    %sub3A_35 = arith.subf %reduce_sum3A_13, %mul3A_34 : f32
    %broadcast_in_dim3A_36 = vector.broadcast %sub3A_35 : f32 to vector<1x128xf32>
    %swap3A = arith.constant 0 : index
    %swap3A_37 = arith.constant 0 : index
    %swap3A_38 = vector.load %arg1[%swap3A, %swap3A_37] : memref<1x128xf32, #tpu.memory_space<vmem>>, vector<1x128xf32>
    tpu.vector_store %arg1[%swap3A, %swap3A_37], %broadcast_in_dim3A_36 {strides = array<i32>} : memref<1x128xf32, #tpu.memory_space<vmem>>, vector<1x128xf32>,
    return
  }
}

module attributes {stable_mosaic.version = 14 : i64} {
  func.func @_final_body(%arg0: memref<1024x128xf32, #tpu.memory_space<vmem>>, %arg1: memref<1024x128xf32, #tpu.memory_space<vmem>>, %arg2: memref<1x128xf32, #tpu.memory_space<vmem>>, %arg3: memref<1x128xf32, #tpu.memory_space<vmem>>, %arg4: memref<1x128xf32, #tpu.memory_space<vmem>>, %arg5: memref<1x128xf32, #tpu.memory_space<vmem>>, %arg6: memref<1024x128xf32, #tpu.memory_space<vmem>>, %arg7: memref<8x128xf32, #tpu.memory_space<vmem>>) attributes {dimension_semantics = [], scalar_prefetch = 0 : i64, scratch_operands = 0 : i64, tpu.core_type = #tpu.core_type<tc>} {
    %get3A = arith.constant 0 : index
    %get3A_0 = arith.constant 0 : index
    %get3A_1 = vector.load %arg0[%get3A, %get3A_0] : memref<1024x128xf32, #tpu.memory_space<vmem>>, vector<1024x128xf32>
    %get3A_2 = arith.constant 0 : index
    %get3A_3 = arith.constant 0 : index
    %get3A_4 = vector.load %arg1[%get3A_2, %get3A_3] : memref<1024x128xf32, #tpu.memory_space<vmem>>, vector<1024x128xf32>
    %mul3A = arith.mulf %get3A_1, %get3A_4 : vector<1024x128xf32>
    %reduce_sum3A = arith.constant dense<0.000000e+00> : vector<1024xf32>
    %reduce_sum3A_5 = vector.multi_reduction <add>, %mul3A, %reduce_sum3A [1] : vector<1024x128xf32> to vector<1024xf32>
    %div3A = arith.constant 7.000000e-02 : f32
    %div3A_6 = vector.broadcast %div3A : f32 to vector<1024xf32>
    %div3A_7 = arith.divf %reduce_sum3A_5, %div3A_6 : vector<1024xf32>
    %exp3A = math.exp %div3A_7 : vector<1024xf32>
    %div3A_8 = arith.constant 224555.75 : f32
    %div3A_9 = vector.broadcast %div3A_8 : f32 to vector<1024xf32>
    %div3A_10 = arith.divf %exp3A, %div3A_9 : vector<1024xf32>
    %log3A = math.log %div3A_10 : vector<1024xf32>
    %add3A = arith.constant 4.096010e-02 : f32
    %add3A_11 = vector.broadcast %add3A : f32 to vector<1024xf32>
    %add3A_12 = arith.addf %div3A_10, %add3A_11 : vector<1024xf32>
    %log3A_13 = math.log %add3A_12 : vector<1024xf32>
    %sub3A = arith.subf %log3A, %log3A_13 : vector<1024xf32>
    %reduce_sum3A_14 = vector.shape_cast %sub3A : vector<1024xf32> to vector<1x1024xf32>
    %reduce_sum3A_15 = arith.constant dense<0.000000e+00> : vector<1xf32>
    %reduce_sum3A_16 = vector.multi_reduction <add>, %reduce_sum3A_14, %reduce_sum3A_15 [1] : vector<1x1024xf32> to vector<1xf32>
    %reduce_sum3A_17 = vector.shape_cast %reduce_sum3A_16 : vector<1xf32> to vector<1x1xf32>
    %reduce_sum3A_18 = vector.extract %reduce_sum3A_17[0, 0] : f32 from vector<1x1xf32>
    %iota3A = tpu.iota {dimensions = array<i32: 1>} : vector<1x128xi32>
    %eq3A = arith.constant 0 : i32
    %eq3A_19 = vector.broadcast %eq3A : i32 to vector<1x128xi32>
    %eq3A_20 = arith.cmpi eq, %iota3A, %eq3A_19 : vector<1x128xi32>
    %get3A_21 = arith.constant 0 : index
    %get3A_22 = arith.constant 0 : index
    %get3A_23 = vector.load %arg2[%get3A_21, %get3A_22] : memref<1x128xf32, #tpu.memory_space<vmem>>, vector<1x128xf32>
    %jit3A = arith.constant 0.000000e+00 : f32
    %broadcast_in_dim3A = vector.broadcast %jit3A : f32 to vector<1x128xf32>
    %select_n3A = arith.select %eq3A_20, %get3A_23, %broadcast_in_dim3A : vector<1x128xi1>, vector<1x128xf32>
    %reduce_sum3A_24 = vector.shape_cast %select_n3A : vector<1x128xf32> to vector<1x1x128xf32>
    %reduce_sum3A_25 = arith.constant dense<0.000000e+00> : vector<1xf32>
    %reduce_sum3A_26 = vector.multi_reduction <add>, %reduce_sum3A_24, %reduce_sum3A_25 [1, 2] : vector<1x1x128xf32> to vector<1xf32>
    %reduce_sum3A_27 = vector.shape_cast %reduce_sum3A_26 : vector<1xf32> to vector<1x1x1xf32>
    %reduce_sum3A_28 = vector.extract %reduce_sum3A_27[0, 0, 0] : f32 from vector<1x1x1xf32>
    %add3A_29 = arith.constant 0.000000e+00 : f32
    %add3A_30 = arith.addf %add3A_29, %reduce_sum3A_28 : f32
    %eq3A_31 = arith.constant 0 : i32
    %eq3A_32 = vector.broadcast %eq3A_31 : i32 to vector<1x128xi32>
    %eq3A_33 = arith.cmpi eq, %iota3A, %eq3A_32 : vector<1x128xi32>
    %get3A_34 = arith.constant 0 : index
    %get3A_35 = arith.constant 0 : index
    %get3A_36 = vector.load %arg3[%get3A_34, %get3A_35] : memref<1x128xf32, #tpu.memory_space<vmem>>, vector<1x128xf32>
    %jit3A_37 = arith.constant 0.000000e+00 : f32
    %broadcast_in_dim3A_38 = vector.broadcast %jit3A_37 : f32 to vector<1x128xf32>
    %select_n3A_39 = arith.select %eq3A_33, %get3A_36, %broadcast_in_dim3A_38 : vector<1x128xi1>, vector<1x128xf32>
    %reduce_sum3A_40 = vector.shape_cast %select_n3A_39 : vector<1x128xf32> to vector<1x1x128xf32>
    %reduce_sum3A_41 = arith.constant dense<0.000000e+00> : vector<1xf32>
    %reduce_sum3A_42 = vector.multi_reduction <add>, %reduce_sum3A_40, %reduce_sum3A_41 [1, 2] : vector<1x1x128xf32> to vector<1xf32>
    %reduce_sum3A_43 = vector.shape_cast %reduce_sum3A_42 : vector<1xf32> to vector<1x1x1xf32>
    %reduce_sum3A_44 = vector.extract %reduce_sum3A_43[0, 0, 0] : f32 from vector<1x1x1xf32>
    %add3A_45 = arith.addf %add3A_30, %reduce_sum3A_44 : f32
    %eq3A_46 = arith.constant 0 : i32
    %eq3A_47 = vector.broadcast %eq3A_46 : i32 to vector<1x128xi32>
    %eq3A_48 = arith.cmpi eq, %iota3A, %eq3A_47 : vector<1x128xi32>
    %get3A_49 = arith.constant 0 : index
    %get3A_50 = arith.constant 0 : index
    %get3A_51 = vector.load %arg4[%get3A_49, %get3A_50] : memref<1x128xf32, #tpu.memory_space<vmem>>, vector<1x128xf32>
    %jit3A_52 = arith.constant 0.000000e+00 : f32
    %broadcast_in_dim3A_53 = vector.broadcast %jit3A_52 : f32 to vector<1x128xf32>
    %select_n3A_54 = arith.select %eq3A_48, %get3A_51, %broadcast_in_dim3A_53 : vector<1x128xi1>, vector<1x128xf32>
    %reduce_sum3A_55 = vector.shape_cast %select_n3A_54 : vector<1x128xf32> to vector<1x1x128xf32>
    %reduce_sum3A_56 = arith.constant dense<0.000000e+00> : vector<1xf32>
    %reduce_sum3A_57 = vector.multi_reduction <add>, %reduce_sum3A_55, %reduce_sum3A_56 [1, 2] : vector<1x1x128xf32> to vector<1xf32>
    %reduce_sum3A_58 = vector.shape_cast %reduce_sum3A_57 : vector<1xf32> to vector<1x1x1xf32>
    %reduce_sum3A_59 = vector.extract %reduce_sum3A_58[0, 0, 0] : f32 from vector<1x1x1xf32>
    %add3A_60 = arith.addf %add3A_45, %reduce_sum3A_59 : f32
    %eq3A_61 = arith.constant 0 : i32
    %eq3A_62 = vector.broadcast %eq3A_61 : i32 to vector<1x128xi32>
    %eq3A_63 = arith.cmpi eq, %iota3A, %eq3A_62 : vector<1x128xi32>
    %get3A_64 = arith.constant 0 : index
    %get3A_65 = arith.constant 0 : index
    %get3A_66 = vector.load %arg5[%get3A_64, %get3A_65] : memref<1x128xf32, #tpu.memory_space<vmem>>, vector<1x128xf32>
    %jit3A_67 = arith.constant 0.000000e+00 : f32
    %broadcast_in_dim3A_68 = vector.broadcast %jit3A_67 : f32 to vector<1x128xf32>
    %select_n3A_69 = arith.select %eq3A_63, %get3A_66, %broadcast_in_dim3A_68 : vector<1x128xi1>, vector<1x128xf32>
    %reduce_sum3A_70 = vector.shape_cast %select_n3A_69 : vector<1x128xf32> to vector<1x1x128xf32>
    %reduce_sum3A_71 = arith.constant dense<0.000000e+00> : vector<1xf32>
    %reduce_sum3A_72 = vector.multi_reduction <add>, %reduce_sum3A_70, %reduce_sum3A_71 [1, 2] : vector<1x1x128xf32> to vector<1xf32>
    %reduce_sum3A_73 = vector.shape_cast %reduce_sum3A_72 : vector<1xf32> to vector<1x1x1xf32>
    %reduce_sum3A_74 = vector.extract %reduce_sum3A_73[0, 0, 0] : f32 from vector<1x1x1xf32>
    %add3A_75 = arith.addf %add3A_60, %reduce_sum3A_74 : f32
    %mul3A_76 = arith.constant 5.000000e-01 : f32
    %mul3A_77 = vector.broadcast %mul3A_76 : f32 to vector<1024x128xf32>
    %mul3A_78 = arith.mulf %mul3A_77, %get3A_4 : vector<1024x128xf32>
    %mul3A_79 = arith.constant 5.000000e-01 : f32
    %mul3A_80 = vector.broadcast %mul3A_79 : f32 to vector<1024x128xf32>
    %mul3A_81 = arith.mulf %mul3A_80, %get3A_1 : vector<1024x128xf32>
    %add3A_82 = arith.addf %mul3A_78, %mul3A_81 : vector<1024x128xf32>
    %mul3A_83 = arith.mulf %add3A_82, %add3A_82 : vector<1024x128xf32>
    %reduce_sum3A_84 = arith.constant dense<0.000000e+00> : vector<1024xf32>
    %reduce_sum3A_85 = vector.multi_reduction <add>, %mul3A_83, %reduce_sum3A_84 [1] : vector<1024x128xf32> to vector<1024xf32>
    %broadcast_in_dim3A_86 = vector.shape_cast %reduce_sum3A_85 : vector<1024xf32> to vector<1024x1xf32>
    %sqrt3A = math.sqrt %broadcast_in_dim3A_86 : vector<1024x1xf32>
    %div3A_87 = vector.broadcast %sqrt3A : vector<1024x1xf32> to vector<1024x128xf32>
    %div3A_88 = arith.divf %add3A_82, %div3A_87 : vector<1024x128xf32>
    %swap3A = arith.constant 0 : index
    %swap3A_89 = arith.constant 0 : index
    %swap3A_90 = vector.load %arg6[%swap3A, %swap3A_89] : memref<1024x128xf32, #tpu.memory_space<vmem>>, vector<1024x128xf32>
    tpu.vector_store %arg6[%swap3A, %swap3A_89], %div3A_88 {strides = array<i32>} : memref<1024x128xf32, #tpu.memory_space<vmem>>, vector<1024x128xf32>,
    %iota3A_91 = tpu.iota {dimensions = array<i32: 0>} : vector<8x128xi32>
    %eq3A_92 = arith.constant 0 : i32
    %eq3A_93 = vector.broadcast %eq3A_92 : i32 to vector<8x128xi32>
    %eq3A_94 = arith.cmpi eq, %iota3A_91, %eq3A_93 : vector<8x128xi32>
    %broadcast_in_dim3A_95 = vector.broadcast %reduce_sum3A_18 : f32 to vector<8x128xf32>
    %broadcast_in_dim3A_96 = vector.broadcast %add3A_75 : f32 to vector<8x128xf32>
    %select_n3A_97 = arith.select %eq3A_94, %broadcast_in_dim3A_95, %broadcast_in_dim3A_96 : vector<8x128xi1>, vector<8x128xf32>
    %swap3A_98 = arith.constant 0 : index
    %swap3A_99 = arith.constant 0 : index
    %swap3A_100 = vector.load %arg7[%swap3A_98, %swap3A_99] : memref<8x128xf32, #tpu.memory_space<vmem>>, vector<8x128xf32>
    tpu.vector_store %arg7[%swap3A_98, %swap3A_99], %select_n3A_97 {strides = array<i32>} : memref<8x128xf32, #tpu.memory_space<vmem>>, vector<8x128xf32>,
    return
  }
}

</mosaic_0001>

<sc_bundles>
// kernel: kernel.17.cloned.1.call-start
scs
__scs_entry_jumppad:
0x0: {  	(pc) =	sbr.rel $0x88, $3  }
0x1: {  	(tag) =	ssettag $0x0;
	lr =	simm.s32 $0x1  }
0x2: {  	[smem:$0x3F9C] =	sst lr;
	_ =	strace $0xD0000000  }
0x3: {  	_ = 	snop  }
0x4: {  	_ = 	snop  }
0x5: {  	_ = 	snop  }
0x6: {  	_ = 	snop  }
0x7: {  	_ = 	snop  }
__scs_overlays_trampoline_lowered:
0x8: {  	[smem:$0x3FAB] =	sst s0  }
0x9: {  	[smem:$0x3FAC] =	sst s1  }
0xa: {  	[smem:$0x3FAD] =	sst s2  }
0xb: {  	[smem:$0x3FAE] =	sst s3  }
0xc: {  	[smem:$0x3FAF] =	sst s4  }
0xd: {  	[smem:$0x3FB0] =	sst s5  }
0xe: {  	[smem:$0x3FB1] =	sst s6  }
0xf: {  	[smem:$0x3FB2] =	sst s7  }
0x10: {  	[smem:$0x3FB3] =	sst s8  }
0x11: {  	[smem:$0x3FB4] =	sst s9;
	s0 =	simm.s32 @!p0 $0x0  }
0x12: {  	s1 =	sld [smem:$0x3F9A];
	s0 =	simm.s32 @p0 $0x1  }
0x13: {  	[smem:$0x3FB5] =	sst s0;
	s0 =	simm.s32 @!p1 $0x0  }
0x14: {  	s2 =	sld [smem:$0x3F99];
	s0 =	simm.s32 @p1 $0x1  }
0x15: {  	[smem:$0x3FB6] =	sst s0;
	s0 =	simm.s32 @!p2 $0x0  }
0x16: {  	s3 =	sld [smem:$0x3FDB];
	s0 =	simm.s32 @p2 $0x1  }
0x17: {  	s4 =	simm.s32 $0x1BF5;
	[smem:$0x3FB8] =	sst s0  }
0x18: {  	s0 =	sld [smem:$0x3F9B];
	_ =	swait.ge [sflag:s4], $0x0  }
0x19: {  	s7 =	sld [smem:$0x3F9C]  }
0x1a: {  	s8 =	sadd.s32 $0xFFFFE003, lr  }
0x1b: {  	s9 =	sadd.s32 $0xFFFFFEF7, lr;
	s5 =	simm.s32 $0xFFFFFFFF;
	p2 =	slt.u32 s8, $0xFFFFF086  }
0x1c: {  	p1 =	slt.u32 s9, $0xF7A;
	s5 =	simm.s32 @!p2 $0x0  }
0x1d: {  	s5 =	simm.s32 @p1 $0x1;
	p0 =	seq.s32 s7, s2  }
0x1e: {  	s7 =	smul.u32 @!p0 $0xF7A, s2;
	p2 =	seq.s32 @!p0 s5, $0x0  }
0x1f: {  	s9 =	smul.u32 $0xF7A, s1;
	s8 =	simm.s32 @!p0 $0x1BF5;
	p2 =	por !p2, p0  }
0x20: {  	[sflag:s8] =	ssyncset.s32 @!p0 $0xFFFFF086;
	s6 =	sadd.s32 @!p0 s3, s7;
	s7 =	simm.s32 @!p0 $0x108  }
0x21: {  	s3 =	sadd.s32 s3, s9;
	s6 =	sadd.s32 @!p0 $0x88, s6;
	s7 =	simm.s32 @p2 $0x1082  }
0x22: {  	[simem:s7], [sflag:s8] =	dma.local @!p0 [hbm:s6], $0xF7A  }
0x23: {  	s9 =	sor.u32 $0xD0000000, s2;
	s6 =	simm.s32 $0x108;
	_ =	swait.ge @!p0 [sflag:s8], $0x0  }
0x24: {  	s3 =	sadd.s32 $0x88, s3;
	s6 =	simm.s32 @!p1 $0x1082;
	[sflag:s4] =	ssyncset.s32 $0xFFFFF086  }
0x25: {  	[simem:s6], [sflag:s4] =	dma.local [hbm:s3], $0xF7A  }
0x26: {  	[smem:$0x3F9C] =	sst s1;
	(tag) =	ssettag s2;
	_ =	strace s9  }
0x27: {  	s1 =	sld [smem:$0x3FAC]  }
0x28: {  	s2 =	sld [smem:$0x3FAD]  }
0x29: {  	s4 =	sld [smem:$0x3FAF]  }
0x2a: {  	p0 =	seq.s32 s5, $0x0;
	s5 =	sld [smem:$0x3FB0]  }
0x2b: {  	s6 =	sld [smem:$0x3FB1]  }
0x2c: {  	s7 =	sld [smem:$0x3FB2]  }
0x2d: {  	s3 =	simm.s32 $0x108;
	s8 =	sld [smem:$0x3FB3]  }
0x2e: {  	s3 =	simm.s32 @!p0 $0x1082;
	s9 =	sld [smem:$0x3FB4]  }
0x2f: {  	lr =	sadd.s32 s0, s3;
	s0 =	sld [smem:$0x3FAB]  }
0x30: {  	s3 =	sld [smem:$0x3FAE]  }
0x31: {  	[smem:$0x3FB7] =	sst s10  }
0x32: {  	s10 =	sld [smem:$0x3FB5];
	_ =	sdelay $0x3  }
0x33: {  	p0 =	seq.s32 s10, $0x1;
	s10 =	sld [smem:$0x3FB7];
	_ =	sdelay $0x3  }
0x34: {  	[smem:$0x3FB7] =	sst s10  }
0x35: {  	s10 =	sld [smem:$0x3FB6];
	_ =	sdelay $0x3  }
0x36: {  	p1 =	seq.s32 s10, $0x1;
	s10 =	sld [smem:$0x3FB7];
	_ =	sdelay $0x3  }
0x37: {  	[smem:$0x3FB7] =	sst s10  }
0x38: {  	s10 =	sld [smem:$0x3FB8]  }
0x39: {  	_ = 	snop;
	(pc) =	sbr.ind lr, $3  }
0x3a: {  	_ = 	snop  }
0x3b: {  	_ = 	snop  }
0x3c: {  	p2 =	seq.s32 s10, $0x1;
	s10 =	sld [smem:$0x3FB7]  }
0x3d: {  	_ =	shalt  }
0x3e: {  	_ =	shalt  }
0x3f: {  	_ =	shalt  }
0x40: {  	_ =	shalt  }
0x41: {  	_ =	shalt  }
0x42: {  	_ =	shalt  }
0x43: {  	_ =	shalt  }
0x44: {  	_ =	shalt  }
0x45: {  	_ =	shalt  }
0x46: {  	_ =	shalt  }
0x47: {  	_ =	shalt  }
0x48: {  	_ =	shalt  }
0x49: {  	_ =	shalt  }
0x4a: {  	_ =	shalt  }
0x4b: {  	_ =	shalt  }
0x4c: {  	_ =	shalt  }
0x4d: {  	_ =	shalt  }
0x4e: {  	_ =	shalt  }
0x4f: {  	_ =	shalt  }
0x50: {  	_ =	shalt  }
0x51: {  	_ =	shalt  }
0x52: {  	_ =	shalt  }
0x53: {  	_ =	shalt  }
0x54: {  	_ =	shalt  }
0x55: {  	_ =	shalt  }
0x56: {  	_ =	shalt  }
0x57: {  	_ =	shalt  }
0x58: {  	_ =	shalt  }
0x59: {  	_ =	shalt  }
0x5a: {  	_ =	shalt  }
0x5b: {  	_ =	shalt  }
0x5c: {  	_ =	shalt  }
0x5d: {  	_ =	shalt  }
0x5e: {  	_ =	shalt  }
0x5f: {  	_ =	shalt  }
0x60: {  	_ =	shalt  }
0x61: {  	_ =	shalt  }
0x62: {  	_ =	shalt  }
0x63: {  	_ =	shalt  }
0x64: {  	_ =	shalt  }
0x65: {  	_ =	shalt  }
0x66: {  	_ =	shalt  }
0x67: {  	_ =	shalt  }
0x68: {  	_ =	shalt  }
0x69: {  	_ =	shalt  }
0x6a: {  	_ =	shalt  }
0x6b: {  	_ =	shalt  }
0x6c: {  	_ =	shalt  }
0x6d: {  	_ =	shalt  }
0x6e: {  	_ =	shalt  }
0x6f: {  	_ =	shalt  }
0x70: {  	_ =	shalt  }
0x71: {  	_ =	shalt  }
0x72: {  	_ =	shalt  }
0x73: {  	_ =	shalt  }
0x74: {  	_ =	shalt  }
0x75: {  	_ =	shalt  }
0x76: {  	_ =	shalt  }
0x77: {  	_ =	shalt  }
0x78: {  	_ =	shalt  }
0x79: {  	_ =	shalt  }
0x7a: {  	_ =	shalt  }
0x7b: {  	_ =	shalt  }
0x7c: {  	_ =	shalt  }
0x7d: {  	_ =	shalt  }
0x7e: {  	_ =	shalt  }
0x7f: {  	_ =	shalt  }
0x80: {  	_ =	shalt  }
0x81: {  	_ =	shalt  }
0x82: {  	_ =	shalt  }
0x83: {  	_ =	shalt  }
0x84: {  	_ =	shalt  }
0x85: {  	_ =	shalt  }
0x86: {  	_ =	shalt  }
0x87: {  	_ =	shalt  }
.Lfunc_end0:
.L_simem_size_0:
called_computation_lowered:
.L_overlay_start_0:
0x88: {  	s2 =	sld [smem:$0x3FD9]  }
0x89: {  	s3 =	sld [smem:$0x3FFE];
	_ =	sdelay $0x1  }
0x8a: {  	s1 =	srdreg.scid  }
0x8b: {  	s0 =	sand.u32 $0x1, s1  }
0x8c: {  	s17 =	sshll.u32 s0, $0xA;
	s2 =	sadd.s32 s3, s2  }
0x8d: {  	s2 =	sadd.s32 s2, s17  }
0x8e: {  	[smem:$0x3FC3] =	sst s2  }
0x8f: {  	_ = 	snop  }
0x90: {  	s18 =	sld [smem:$0x3FC8]  }
0x91: {  	s4 =	sld [smem:$0x3FC7];
	(tm) =	ssettm $0x1  }
0x92: {  	s19 =	sld [smem:$0x3FFB];
	_ =	sdelay $0x3  }
0x93: {  	_ =	strace s19  }
0x94: {  	s2 =	sld [smem:$0x3FFC];
	_ =	sdelay $0x3  }
0x95: {  	_ =	strace s2  }
0x96: {  	s2 =	sld [smem:$0x3FFD];
	_ =	sdelay $0x3  }
0x97: {  	_ =	strace s2  }
0x98: {  	_ =	strace $0x8FFFFFFF  }
0x99: {  	s20 =	sld [smem:$0x3FDB];
	_ =	sdelay $0x1  }
0x9a: {  	s5 =	simm.s32 $_scs_section_size  }
0x9b: {  	s6 =	simm.s32 $_size__tile_overlayer_lowered;
	s7 =	simm.s32 $_tile_overlayer_lowered  }
0x9c: {  	s8 =	simm.s32 $0x1BFF;
	s21 =	sshll.u32 s7, $0x1;
	s5 =	sadd.s32 s5, s20  }
0x9d: {  	s22 =	simm.s32 $0x0;
	s6 =	sshll.u32 s6, $0x1;
	s7 =	sadd.s32 s21, s5  }
0x9e: {  	[timem:s22], [sflag:s8] =	dma.local [hbm:s7], s6  }
0x9f: {  	_ =	swait.ge [sflag:s8], s6  }
0xa0: {  	s6 =	ssub.s32 $0x0, s6;
	[sflag:s8] =	ssyncset.done $0x0  }
0xa1: {  	[sflag:s8] =	ssyncadd.s32 s6;
	_ =	sdelay $0x1  }
0xa2: {  	s23 =	simm.s32 $0x1B8B  }
0xa3: {  	_ =	swait.ge [sflag:s23], $0x1  }
0xa4: {  	[sflag:s23] =	ssyncset.done $0x0  }
0xa5: {  	[sflag:s23] =	ssyncadd.s32 $0xFFFFFFFF  }
0xa6: {  	s6 =	sld [smem:$0x0]  }
0xa7: {  	s7 =	sand.u32 $0xFFFFFFFE, s1  }
0xa8: {  	p0 =	sne.s32 s1, s7  }
0xa9: {  	s7 =	sshll.u32 @p0 s7, $0xE  }
0xaa: {  	s7 =	sadd.s32 @p0 $0x11B8D, s7;
	s8 =	sshll.u32 @p0 s6, $0x11  }
0xab: {  	s7 =	sor.u32 @p0 s8, s7  }
0xac: {  	[sflag:s7] =	ssyncadd.remote.s32 @p0 $0x1;
	_ =	sdelay $0x1  }
0xad: {  	s7 =	simm.s32 @p0 $0x1B8D  }
0xae: {  	_ =	swait.eq @p0 [sflag:s7], $0x1  }
0xaf: {  	[sflag:s7] =	ssyncadd.s32 @p0 $0xFFFFFFFF  }
0xb0: {  	s8 =	sshll.u32 @!p0 s1, $0xE  }
0xb1: {  	s8 =	sor.u32 @!p0 $0x4000, s8;
	s7 =	simm.s32 @!p0 $0x1B8D  }
0xb2: {  	s6 =	sshll.u32 @!p0 s6, $0x11;
	s8 =	sadd.s32 @!p0 $0x11B8D, s8;
	_ =	swait.eq @!p0 [sflag:s7], $0x1  }
0xb3: {  	s6 =	sor.u32 @!p0 s6, s8;
	[sflag:s7] =	ssyncadd.s32 @!p0 $0xFFFFFFFF  }
0xb4: {  	s25 =	simm.s32 $0x1B8E;
	s24 =	sld [smem:$0x3FFE];
	[sflag:s6] =	ssyncadd.remote.s32 @!p0 $0x1  }
0xb5: {  	s26 =	simm.s32 $execute0_lowered;
	[smem:$0x3FD2] =	sst s25  }
0xb6: {  	s7 =	sshll.u32 s26, $0x1;
	_ =	strace $0x80000052;
	[dreg:$0x1] =	wrdreg $0xFFFFFFFF  }
0xb7: {  	s28 =	simm.s32 $_size_execute0_lowered;
	s5 =	sadd.s32 s5, s7;
	[dreg:$0x0] =	wrdreg $0x0  }
0xb8: {  	s7 =	sshll.u32 s28, $0x1;
	[dreg:$0x2] =	wrdreg s5  }
0xb9: {  	[dreg:$0x3] =	wrdreg s7  }
0xba: {  	[dreg:$0x4] =	wrdreg $0xC0  }
0xbb: {  	_ =	task [dreg:s22], $0x5FFFF  }
0xbc: {  	[dreg:$0x1] =	wrdreg $0xFFFFFFFF  }
0xbd: {  	[dreg:$0x0] =	wrdreg $0x60  }
0xbe: {  	[dreg:$0x2] =	wrdreg s4  }
0xbf: {  	[dreg:$0x3] =	wrdreg s18  }
0xc0: {  	[dreg:$0x4] =	wrdreg s24  }
0xc1: {  	[dreg:$0x5] =	wrdreg $0x9  }
0xc2: {  	_ =	task.clear_ibuf [dreg:s22], $0x6FFFF;
	_ =	strace $0x90000052  }
0xc3: {  	s29 =	simm.s32 $0x9;
	_ =	strace $0x80000054  }
0xc4: {  	_ =	swait.ge [sflag:s29], $0x1  }
0xc5: {  	[sflag:s29] =	ssyncadd.s32 $0xFFFFFFFF  }
0xc6: {  	_ =	strace $0x90000054  }
0xc7: {  	_ =	sfence  }
0xc8: {  	s30 =	sld [smem:$0x0];
	_ =	sdelay $0x2  }
0xc9: {  	s31 =	sshll.u32 s1, $0xD;
	s1 =	sshrl.u32 s1, $0x2  }
0xca: {  	s4 =	sand.u32 $0x4000, s31;
	s1 =	sadd.s32 s1, s30  }
0xcb: {  	s0 =	sor.u32 s4, s0;
	s1 =	sshll.u32 s1, $0x11  }
0xcc: {  	s0 =	sor.u32 s1, s0  }
0xcd: {  	s0 =	sadd.s32 $0x8F2B, s0  }
0xce: {  	[sflag:s0] =	ssyncadd.remote.s32 $0x1  }
0xcf: {  	_ =	sfence.sel $0xFFFF  }
0xd0: {  	[dreg:$0x0] =	wrdreg $0xFFFFFFFF;
	(pc) =	sbr.abs _section_cstart, $3  }
0xd1: {  	[dreg:$0x1] =	wrdreg $0xFFFFFFFF  }
0xd2: {  	_ =	task.clear_ibuf [dreg:s22], $0x2FFFF;
	_ =	strace $0x9FFFFFFF  }
0xd3: {  	(tm) =	ssettm $0x7FFFFFFF  }
tec
execute0_lowered:
.L_overlay_start_1:
0x0: {  	(tag) =	ssettag $0x1  }
0x1: {  	s1 =	rddreg [dreg:$0x0];
	s2 =	srdreg.scid  }
0x2: {  	s4 =	rddreg [dreg:$0x1];
	s0 =	stileid.u32  }
0x3: {  	s9 =	rddreg [dreg:$0x2];
	s3 =	simm.s32 $0x0;
	s6 =	sand.u32 $0x1, s2  }
0x4: {  	s5 =	sshll.u32 s0, $0x6;
	s2 =	rddreg [dreg:$0x3];
	s7 =	sshll.u32 s6, $0x5  }
0x5: {  	s8 =	simm.s32 $0x1;
	[smem:$0x7FF] =	sst s3;
	s10 =	sor.u32 s7, s5  }
0x6: {  	_ =	strace $0x80000053;
	s11 =	ssub.s32 $0x2, s6;
	s5 =	sshrl.u32 s10, $0x3  }
0x7: {  	s6 =	simm.s32 $0x20;
	s5 =	sadd.s32 s4, s5;
	s4 =	simm.s32 $0x2  }
0x8: {  	[tilespmem:s3], [sflag:$0x2] =	stream.linear.gather [hbm4b:s5+s3], $0x20, $0x38;
	[tilespmem:$0x1080] =	vst v63  }
0x9: {  	s7 =	simm.s32 $0x80;
	s12 =	sshrl.u32 s11, $0x1;
	_ =	swait.ge [sflag:s4], $0x20  }
0xa: {  	s10 =	sshll.u32 s10, $0x4;
	s31 =	ssub.s32 s11, s12;
	[sflag:s4] =	ssyncset.done $0x0  }
0xb: {  	s9 =	sadd.s32 s10, s9;
	s10 =	smax.u32 s31, $0x1;
	[sflag:s4] =	ssyncadd.s32 $0xFFFFFFE0  }
0xc: {  	[tilespmem:s7], [sflag:$0x1] =	stream.indirect.gather [hbm4b:s1+s6], $0x80, s3, s6, $0xb8;
	[tilespmem:$0x1080] =	vst v63  }
0xd: {  	p0 =	sne.s32 s10, $0x1;
	_ =	swait.ge [sflag:s8], $0x1000  }
.Ltmp0:
0xe: {  	[sflag:s8] =	ssyncset.done $0x0;
	(pc) =	sbr.rel @!p0 .LBB2_2-.Ltmp0, $4  }
0xf: {  	s9 =	sadd.s32 $0xD39A00, s9;
	[sflag:s8] =	ssyncadd.s32 $0xFFFFF000  }
0x10: {  	[hbm4b:s9+s3] =	stream.linear.scatter [tilespmem:s7], [sflag:$0x2], $0x1000, $0x38;
	[tilespmem:$0x1080] =	vst v63  }
0x11: {  	_ =	swait.ge [sflag:s4], $0x1000  }
0x12: {  	s10 =	sadd.s32 $0xFFFFFFFF, s10;
	[sflag:s4] =	ssyncset.done $0x0  }
.LBB2_1:
0x13: {  	p0 =	sne.s32 s10, $0x1;
	s10 =	sadd.s32 $0xFFFFFFFF, s10;
	[sflag:s4] =	ssyncadd.s32 $0xFFFFF000  }
0x14: {  	[tilespmem:s3], [sflag:$0x2] =	stream.linear.gather [hbm4b:s5+s3], $0x20, $0x38;
	[tilespmem:$0x1080] =	vst v63  }
0x15: {  	_ =	swait.ge [sflag:s4], $0x20  }
0x16: {  	[sflag:s4] =	ssyncset.done $0x0  }
0x17: {  	[sflag:s4] =	ssyncadd.s32 $0xFFFFFFE0  }
0x18: {  	[tilespmem:s7], [sflag:$0x1] =	stream.indirect.gather [hbm4b:s1+s6], $0x80, s3, s6, $0xb8;
	[tilespmem:$0x1080] =	vst v63  }
0x19: {  	_ =	swait.ge [sflag:s8], $0x1000  }
.Ltmp1:
0x1a: {  	[sflag:s8] =	ssyncset.done $0x0;
	(pc) =	sbr.rel @p0 .LBB2_1-.Ltmp1, $4  }
0x1b: {  	[sflag:s8] =	ssyncadd.s32 $0xFFFFF000  }
0x1c: {  	[hbm4b:s9+s3] =	stream.linear.scatter [tilespmem:s7], [sflag:$0x2], $0x1000, $0x38;
	[tilespmem:$0x1080] =	vst v63  }
0x1d: {  	_ =	swait.ge [sflag:s4], $0x1000  }
0x1e: {  	[sflag:s4] =	ssyncset.done $0x0  }
.LBB2_2:
0x1f: {  	[sflag:s4] =	ssyncadd.s32 $0xFFFFF000  }
0x20: {  	_ =	sfence.sel $0x180000  }
0x21: {  	[bflag:$0x0] =	sbarrier.arrive $0xFFFF  }
0x22: {  	p0 =	sne.s32 s0, $0x0;
	_ =	strace $0x90000053  }
0x23: {  	s0 =	sadd.s32 @!p0 $0x100000, s2;
	[bflag:$0x2] =	sbarrier.arrive $0xFFFF  }
0x24: {  	[sflag:s0] =	ssyncadd.tile.s32 @!p0 $0x1;
	_ =	shalt  }
.Lfunc_end2:
_tile_overlayer_lowered:
.L_overlay_start_2:
0x25: {  	(tag) =	ssettag $0x2  }
0x26: {  	s0 =	rddreg [dreg:$0x0];
	s2 =	stileid.u32  }
0x27: {  	s1 =	rddreg [dreg:$0x1];
	p0 =	sne.s32 s2, $0x0  }
0x28: {  	s3 =	rddreg [dreg:$0x2];
	[bflag:$0x3] =	sbarrier.arrive $0xFFFF;
	s2 =	simm.s32 @!p0 $0x1C02  }
0x29: {  	[timem:s3], [sflag:s2] =	dma.local @!p0 [hbm:s0], s1  }
0x2a: {  	s0 =	simm.s32 @!p0 $0x2  }
0x2b: {  	_ =	swait.ge @!p0 [sflag:s0], s1  }
0x2c: {  	s1 =	ssub.s32 @!p0 $0x0, s1;
	[sflag:s0] =	ssyncset.done @!p0 $0x0  }
0x2d: {  	[sflag:s0] =	ssyncadd.s32 @!p0 s1  }
0x2e: {  	[bflag:$0x3] =	sbarrier.arrive $0xFFFF  }
0x2f: {  	_ =	shalt  }

// kernel: kernel.20.cloned.1.call-start
scs
__scs_entry_jumppad:
0x0: {  	(pc) =	sbr.rel $0x88, $3  }
0x1: {  	(tag) =	ssettag $0x0;
	lr =	simm.s32 $0x1  }
0x2: {  	[smem:$0x3F9C] =	sst lr;
	_ =	strace $0xD0000000  }
0x3: {  	_ = 	snop  }
0x4: {  	_ = 	snop  }
0x5: {  	_ = 	snop  }
0x6: {  	_ = 	snop  }
0x7: {  	_ = 	snop  }
__scs_overlays_trampoline_lowered:
0x8: {  	[smem:$0x3FAB] =	sst s0  }
0x9: {  	[smem:$0x3FAC] =	sst s1  }
0xa: {  	[smem:$0x3FAD] =	sst s2  }
0xb: {  	[smem:$0x3FAE] =	sst s3  }
0xc: {  	[smem:$0x3FAF] =	sst s4  }
0xd: {  	[smem:$0x3FB0] =	sst s5  }
0xe: {  	[smem:$0x3FB1] =	sst s6  }
0xf: {  	[smem:$0x3FB2] =	sst s7  }
0x10: {  	[smem:$0x3FB3] =	sst s8  }
0x11: {  	[smem:$0x3FB4] =	sst s9;
	s0 =	simm.s32 @!p0 $0x0  }
0x12: {  	s1 =	sld [smem:$0x3F9A];
	s0 =	simm.s32 @p0 $0x1  }
0x13: {  	[smem:$0x3FB5] =	sst s0;
	s0 =	simm.s32 @!p1 $0x0  }
0x14: {  	s2 =	sld [smem:$0x3F99];
	s0 =	simm.s32 @p1 $0x1  }
0x15: {  	[smem:$0x3FB6] =	sst s0;
	s0 =	simm.s32 @!p2 $0x0  }
0x16: {  	s3 =	sld [smem:$0x3FDB];
	s0 =	simm.s32 @p2 $0x1  }
0x17: {  	s4 =	simm.s32 $0x1BF5;
	[smem:$0x3FB8] =	sst s0  }
0x18: {  	s0 =	sld [smem:$0x3F9B];
	_ =	swait.ge [sflag:s4], $0x0  }
0x19: {  	s7 =	sld [smem:$0x3F9C]  }
0x1a: {  	s8 =	sadd.s32 $0xFFFFE003, lr  }
0x1b: {  	s9 =	sadd.s32 $0xFFFFFEF7, lr;
	s5 =	simm.s32 $0xFFFFFFFF;
	p2 =	slt.u32 s8, $0xFFFFF086  }
0x1c: {  	p1 =	slt.u32 s9, $0xF7A;
	s5 =	simm.s32 @!p2 $0x0  }
0x1d: {  	s5 =	simm.s32 @p1 $0x1;
	p0 =	seq.s32 s7, s2  }
0x1e: {  	s7 =	smul.u32 @!p0 $0xF7A, s2;
	p2 =	seq.s32 @!p0 s5, $0x0  }
0x1f: {  	s9 =	smul.u32 $0xF7A, s1;
	s8 =	simm.s32 @!p0 $0x1BF5;
	p2 =	por !p2, p0  }
0x20: {  	[sflag:s8] =	ssyncset.s32 @!p0 $0xFFFFF086;
	s6 =	sadd.s32 @!p0 s3, s7;
	s7 =	simm.s32 @!p0 $0x108  }
0x21: {  	s3 =	sadd.s32 s3, s9;
	s6 =	sadd.s32 @!p0 $0x88, s6;
	s7 =	simm.s32 @p2 $0x1082  }
0x22: {  	[simem:s7], [sflag:s8] =	dma.local @!p0 [hbm:s6], $0xF7A  }
0x23: {  	s9 =	sor.u32 $0xD0000000, s2;
	s6 =	simm.s32 $0x108;
	_ =	swait.ge @!p0 [sflag:s8], $0x0  }
0x24: {  	s3 =	sadd.s32 $0x88, s3;
	s6 =	simm.s32 @!p1 $0x1082;
	[sflag:s4] =	ssyncset.s32 $0xFFFFF086  }
0x25: {  	[simem:s6], [sflag:s4] =	dma.local [hbm:s3], $0xF7A  }
0x26: {  	[smem:$0x3F9C] =	sst s1;
	(tag) =	ssettag s2;
	_ =	strace s9  }
0x27: {  	s1 =	sld [smem:$0x3FAC]  }
0x28: {  	s2 =	sld [smem:$0x3FAD]  }
0x29: {  	s4 =	sld [smem:$0x3FAF]  }
0x2a: {  	p0 =	seq.s32 s5, $0x0;
	s5 =	sld [smem:$0x3FB0]  }
0x2b: {  	s6 =	sld [smem:$0x3FB1]  }
0x2c: {  	s7 =	sld [smem:$0x3FB2]  }
0x2d: {  	s3 =	simm.s32 $0x108;
	s8 =	sld [smem:$0x3FB3]  }
0x2e: {  	s3 =	simm.s32 @!p0 $0x1082;
	s9 =	sld [smem:$0x3FB4]  }
0x2f: {  	lr =	sadd.s32 s0, s3;
	s0 =	sld [smem:$0x3FAB]  }
0x30: {  	s3 =	sld [smem:$0x3FAE]  }
0x31: {  	[smem:$0x3FB7] =	sst s10  }
0x32: {  	s10 =	sld [smem:$0x3FB5];
	_ =	sdelay $0x3  }
0x33: {  	p0 =	seq.s32 s10, $0x1;
	s10 =	sld [smem:$0x3FB7];
	_ =	sdelay $0x3  }
0x34: {  	[smem:$0x3FB7] =	sst s10  }
0x35: {  	s10 =	sld [smem:$0x3FB6];
	_ =	sdelay $0x3  }
0x36: {  	p1 =	seq.s32 s10, $0x1;
	s10 =	sld [smem:$0x3FB7];
	_ =	sdelay $0x3  }
0x37: {  	[smem:$0x3FB7] =	sst s10  }
0x38: {  	s10 =	sld [smem:$0x3FB8]  }
0x39: {  	_ = 	snop;
	(pc) =	sbr.ind lr, $3  }
0x3a: {  	_ = 	snop  }
0x3b: {  	_ = 	snop  }
0x3c: {  	p2 =	seq.s32 s10, $0x1;
	s10 =	sld [smem:$0x3FB7]  }
0x3d: {  	_ =	shalt  }
0x3e: {  	_ =	shalt  }
0x3f: {  	_ =	shalt  }
0x40: {  	_ =	shalt  }
0x41: {  	_ =	shalt  }
0x42: {  	_ =	shalt  }
0x43: {  	_ =	shalt  }
0x44: {  	_ =	shalt  }
0x45: {  	_ =	shalt  }
0x46: {  	_ =	shalt  }
0x47: {  	_ =	shalt  }
0x48: {  	_ =	shalt  }
0x49: {  	_ =	shalt  }
0x4a: {  	_ =	shalt  }
0x4b: {  	_ =	shalt  }
0x4c: {  	_ =	shalt  }
0x4d: {  	_ =	shalt  }
0x4e: {  	_ =	shalt  }
0x4f: {  	_ =	shalt  }
0x50: {  	_ =	shalt  }
0x51: {  	_ =	shalt  }
0x52: {  	_ =	shalt  }
0x53: {  	_ =	shalt  }
0x54: {  	_ =	shalt  }
0x55: {  	_ =	shalt  }
0x56: {  	_ =	shalt  }
0x57: {  	_ =	shalt  }
0x58: {  	_ =	shalt  }
0x59: {  	_ =	shalt  }
0x5a: {  	_ =	shalt  }
0x5b: {  	_ =	shalt  }
0x5c: {  	_ =	shalt  }
0x5d: {  	_ =	shalt  }
0x5e: {  	_ =	shalt  }
0x5f: {  	_ =	shalt  }
0x60: {  	_ =	shalt  }
0x61: {  	_ =	shalt  }
0x62: {  	_ =	shalt  }
0x63: {  	_ =	shalt  }
0x64: {  	_ =	shalt  }
0x65: {  	_ =	shalt  }
0x66: {  	_ =	shalt  }
0x67: {  	_ =	shalt  }
0x68: {  	_ =	shalt  }
0x69: {  	_ =	shalt  }
0x6a: {  	_ =	shalt  }
0x6b: {  	_ =	shalt  }
0x6c: {  	_ =	shalt  }
0x6d: {  	_ =	shalt  }
0x6e: {  	_ =	shalt  }
0x6f: {  	_ =	shalt  }
0x70: {  	_ =	shalt  }
0x71: {  	_ =	shalt  }
0x72: {  	_ =	shalt  }
0x73: {  	_ =	shalt  }
0x74: {  	_ =	shalt  }
0x75: {  	_ =	shalt  }
0x76: {  	_ =	shalt  }
0x77: {  	_ =	shalt  }
0x78: {  	_ =	shalt  }
0x79: {  	_ =	shalt  }
0x7a: {  	_ =	shalt  }
0x7b: {  	_ =	shalt  }
0x7c: {  	_ =	shalt  }
0x7d: {  	_ =	shalt  }
0x7e: {  	_ =	shalt  }
0x7f: {  	_ =	shalt  }
0x80: {  	_ =	shalt  }
0x81: {  	_ =	shalt  }
0x82: {  	_ =	shalt  }
0x83: {  	_ =	shalt  }
0x84: {  	_ =	shalt  }
0x85: {  	_ =	shalt  }
0x86: {  	_ =	shalt  }
0x87: {  	_ =	shalt  }
.Lfunc_end0:
.L_simem_size_0:
called_computation.1_lowered:
.L_overlay_start_0:
0x88: {  	s2 =	sld [smem:$0x3FD9]  }
0x89: {  	s3 =	sld [smem:$0x3FFE];
	_ =	sdelay $0x1  }
0x8a: {  	s1 =	srdreg.scid  }
0x8b: {  	s0 =	sand.u32 $0x1, s1  }
0x8c: {  	s17 =	sshll.u32 s0, $0xA;
	s2 =	sadd.s32 s3, s2  }
0x8d: {  	s2 =	sadd.s32 s2, s17  }
0x8e: {  	[smem:$0x3FC3] =	sst s2  }
0x8f: {  	_ = 	snop  }
0x90: {  	(tm) =	ssettm $0x1  }
0x91: {  	s18 =	sld [smem:$0x3FFB];
	_ =	sdelay $0x3  }
0x92: {  	_ =	strace s18  }
0x93: {  	s2 =	sld [smem:$0x3FFC];
	_ =	sdelay $0x3  }
0x94: {  	_ =	strace s2  }
0x95: {  	s2 =	sld [smem:$0x3FFD];
	_ =	sdelay $0x3  }
0x96: {  	_ =	strace s2  }
0x97: {  	_ =	strace $0x8FFFFFFF  }
0x98: {  	s19 =	sld [smem:$0x3FDB];
	_ =	sdelay $0x1  }
0x99: {  	s20 =	simm.s32 $_scs_section_size  }
0x9a: {  	s4 =	simm.s32 $_size__tile_overlayer_lowered;
	s5 =	simm.s32 $_tile_overlayer_lowered  }
0x9b: {  	s6 =	simm.s32 $0x1BFF;
	s21 =	sshll.u32 s5, $0x1;
	s3 =	sadd.s32 s20, s19  }
0x9c: {  	s22 =	simm.s32 $0x0;
	s4 =	sshll.u32 s4, $0x1;
	s5 =	sadd.s32 s21, s3  }
0x9d: {  	[timem:s22], [sflag:s6] =	dma.local [hbm:s5], s4  }
0x9e: {  	_ =	swait.ge [sflag:s6], s4  }
0x9f: {  	s4 =	ssub.s32 $0x0, s4;
	[sflag:s6] =	ssyncset.done $0x0  }
0xa0: {  	[sflag:s6] =	ssyncadd.s32 s4;
	_ =	sdelay $0x1  }
0xa1: {  	s23 =	simm.s32 $0x1B8B  }
0xa2: {  	_ =	swait.ge [sflag:s23], $0x1  }
0xa3: {  	[sflag:s23] =	ssyncset.done $0x0  }
0xa4: {  	[sflag:s23] =	ssyncadd.s32 $0xFFFFFFFF  }
0xa5: {  	s4 =	sld [smem:$0x0]  }
0xa6: {  	s5 =	sand.u32 $0xFFFFFFFE, s1  }
0xa7: {  	p0 =	sne.s32 s1, s5  }
0xa8: {  	s5 =	sshll.u32 @p0 s5, $0xE  }
0xa9: {  	s5 =	sadd.s32 @p0 $0x11B8D, s5;
	s6 =	sshll.u32 @p0 s4, $0x11  }
0xaa: {  	s5 =	sor.u32 @p0 s6, s5  }
0xab: {  	[sflag:s5] =	ssyncadd.remote.s32 @p0 $0x1;
	_ =	sdelay $0x1  }
0xac: {  	s5 =	simm.s32 @p0 $0x1B8D  }
0xad: {  	_ =	swait.eq @p0 [sflag:s5], $0x1  }
0xae: {  	[sflag:s5] =	ssyncadd.s32 @p0 $0xFFFFFFFF  }
0xaf: {  	s6 =	sshll.u32 @!p0 s1, $0xE  }
0xb0: {  	s6 =	sor.u32 @!p0 $0x4000, s6;
	s5 =	simm.s32 @!p0 $0x1B8D  }
0xb1: {  	s4 =	sshll.u32 @!p0 s4, $0x11;
	s6 =	sadd.s32 @!p0 $0x11B8D, s6;
	_ =	swait.eq @!p0 [sflag:s5], $0x1  }
0xb2: {  	s4 =	sor.u32 @!p0 s4, s6;
	[sflag:s5] =	ssyncadd.s32 @!p0 $0xFFFFFFFF  }
0xb3: {  	s25 =	simm.s32 $0x1B8E;
	s24 =	sld [smem:$0x3FFE];
	[sflag:s4] =	ssyncadd.remote.s32 @!p0 $0x1  }
0xb4: {  	s26 =	simm.s32 $execute0_lowered;
	[smem:$0x3FD2] =	sst s25  }
0xb5: {  	s5 =	sshll.u32 s26, $0x1;
	_ =	strace $0x8000004C;
	[dreg:$0x1] =	wrdreg $0xFFFFFFFF  }
0xb6: {  	s28 =	simm.s32 $_size_execute0_lowered;
	s3 =	sadd.s32 s3, s5;
	[dreg:$0x0] =	wrdreg $0x0  }
0xb7: {  	s5 =	sshll.u32 s28, $0x1;
	[dreg:$0x2] =	wrdreg s3  }
0xb8: {  	[dreg:$0x3] =	wrdreg s5  }
0xb9: {  	[dreg:$0x4] =	wrdreg $0xC0  }
0xba: {  	_ =	task [dreg:s22], $0x5FFFF  }
0xbb: {  	[dreg:$0x1] =	wrdreg $0xFFFFFFFF  }
0xbc: {  	[dreg:$0x0] =	wrdreg $0x60  }
0xbd: {  	[dreg:$0x2] =	wrdreg s24  }
0xbe: {  	[dreg:$0x3] =	wrdreg $0xA  }
0xbf: {  	_ =	task.clear_ibuf [dreg:s22], $0x4FFFF;
	_ =	strace $0x9000004C  }
0xc0: {  	s29 =	simm.s32 $0xA;
	_ =	strace $0x8000004E  }
0xc1: {  	_ =	swait.ge [sflag:s29], $0x1  }
0xc2: {  	[sflag:s29] =	ssyncadd.s32 $0xFFFFFFFF  }
0xc3: {  	_ =	strace $0x9000004E  }
0xc4: {  	_ =	sfence  }
0xc5: {  	s30 =	sld [smem:$0x0];
	_ =	sdelay $0x2  }
0xc6: {  	s31 =	sshll.u32 s1, $0xD;
	s1 =	sshrl.u32 s1, $0x2  }
0xc7: {  	s4 =	sand.u32 $0x4000, s31;
	s1 =	sadd.s32 s1, s30  }
0xc8: {  	s0 =	sor.u32 s4, s0;
	s1 =	sshll.u32 s1, $0x11  }
0xc9: {  	s0 =	sor.u32 s1, s0  }
0xca: {  	s0 =	sadd.s32 $0x8F2B, s0  }
0xcb: {  	[sflag:s0] =	ssyncadd.remote.s32 $0x1  }
0xcc: {  	_ =	sfence.sel $0xFFFF  }
0xcd: {  	[dreg:$0x0] =	wrdreg $0xFFFFFFFF;
	(pc) =	sbr.abs _section_cstart, $3  }
0xce: {  	[dreg:$0x1] =	wrdreg $0xFFFFFFFF  }
0xcf: {  	_ =	task.clear_ibuf [dreg:s22], $0x2FFFF;
	_ =	strace $0x9FFFFFFF  }
0xd0: {  	(tm) =	ssettm $0x7FFFFFFF  }
0xd1: {  	_ =	shalt  }
tec
execute0_lowered:
.L_overlay_start_1:
0x0: {  	(tag) =	ssettag $0x1  }
0x1: {  	s1 =	srdreg.scid;
	s0 =	stileid.u32  }
0x2: {  	s11 =	sand.u32 $0x1, s1;
	s30 =	sshll.u32 s0, $0x1  }
0x3: {  	s1 =	sor.u32 s11, s30  }
0x4: {  	s8 =	rddreg [dreg:$0x0];
	s2 =	simm.s32 $0x0;
	s3 =	smul.u32 $0x8020, s1  }
0x5: {  	[smem:$0x7FF] =	sst s2  }
0x6: {  	s9 =	sadd.s32 $0x9AC200, s8;
	s1 =	rddreg [dreg:$0x1];
	s10 =	sshrl.u32 s3, $0x3  }
0x7: {  	_ =	strace $0x8000004D;
	s3 =	simm.s32 $0x2;
	s4 =	sadd.s32 s9, s10  }
0x8: {  	[tilespmem:s2], [sflag:$0x2] =	stream.linear.gather [hbm4b:s4+s2], $0x8000, $0x38;
	[tilespmem:$0x10100] =	vst v63  }
0x9: {  	_ =	swait.ge [sflag:s3], $0x8000  }
0xa: {  	s6 =	simm.s32 $0x8000;
	[sflag:s3] =	ssyncset.done $0x0  }
0xb: {  	s7 =	simm.s32 $0x1;
	s5 =	sadd.s32 $0x69EE00, s8;
	[sflag:s3] =	ssyncadd.s32 $0xFFFF8000  }
0xc: {  	[tilespmem:s6], [sflag:$0x1] =	stream.indirect.gather [hbm4b:s5+s6], $0x1, s2, s6, $0xb8;
	[tilespmem:$0x10100] =	vst v63  }
0xd: {  	_ =	swait.ge [sflag:s7], $0x8000  }
0xe: {  	s13 =	sadd.s32 $0x9CC400, s8;
	[sflag:s7] =	ssyncset.done $0x0  }
0xf: {  	s8 =	sadd.s32 s13, s10;
	[sflag:s7] =	ssyncadd.s32 $0xFFFF8000  }
0x10: {  	[hbm4b:s8+s2] =	stream.linear.scatter [tilespmem:s6], [sflag:$0x2], $0x8000, $0x38;
	[tilespmem:$0x10100] =	vst v63  }
0x11: {  	_ =	swait.ge [sflag:s3], $0x8000  }
0x12: {  	s15 =	ssub.s32 $0x2, s11;
	s14 =	sadd.s32 $0x1000, s10;
	[sflag:s3] =	ssyncset.done $0x0  }
0x13: {  	s10 =	simm.s32 $0x10000;
	s9 =	sadd.s32 s9, s14;
	[sflag:s3] =	ssyncadd.s32 $0xFFFF8000  }
0x14: {  	[tilespmem:s10], [sflag:$0x2] =	stream.linear.gather [hbm4b:s9+s2], $0x20, $0x38;
	[tilespmem:$0x10100] =	vst v63  }
0x15: {  	s16 =	sshrl.u32 s15, $0x1;
	_ =	swait.ge [sflag:s3], $0x20  }
0x16: {  	s12 =	simm.s32 $0x10080;
	s15 =	ssub.s32 s15, s16;
	[sflag:s3] =	ssyncset.done $0x0  }
0x17: {  	s11 =	simm.s32 $0x20;
	s31 =	smax.u32 s15, $0x1;
	[sflag:s3] =	ssyncadd.s32 $0xFFFFFFE0  }
0x18: {  	[tilespmem:s12], [sflag:$0x1] =	stream.indirect.gather [hbm4b:s5+s11], $0x1, s10, s11, $0xb8;
	[tilespmem:$0x10100] =	vst v63  }
0x19: {  	p0 =	sne.s32 s31, $0x1;
	_ =	swait.ge [sflag:s7], $0x20  }
.Ltmp0:
0x1a: {  	[sflag:s7] =	ssyncset.done $0x0;
	(pc) =	sbr.rel @!p0 .LBB2_2-.Ltmp0, $4  }
0x1b: {  	s13 =	sadd.s32 s13, s14;
	[sflag:s7] =	ssyncadd.s32 $0xFFFFFFE0  }
0x1c: {  	[hbm4b:s13+s2] =	stream.linear.scatter [tilespmem:s12], [sflag:$0x2], $0x20, $0x38;
	[tilespmem:$0x10100] =	vst v63  }
0x1d: {  	_ =	swait.ge [sflag:s3], $0x20  }
0x1e: {  	s14 =	sadd.s32 $0xFFFFFFFF, s31;
	[sflag:s3] =	ssyncset.done $0x0  }
.LBB2_1:
0x1f: {  	p0 =	sne.s32 s14, $0x1;
	s14 =	sadd.s32 $0xFFFFFFFF, s14;
	[sflag:s3] =	ssyncadd.s32 $0xFFFFFFE0  }
0x20: {  	[tilespmem:s2], [sflag:$0x2] =	stream.linear.gather [hbm4b:s4+s2], $0x8000, $0x38;
	[tilespmem:$0x10100] =	vst v63  }
0x21: {  	_ =	swait.ge [sflag:s3], $0x8000  }
0x22: {  	[sflag:s3] =	ssyncset.done $0x0  }
0x23: {  	[sflag:s3] =	ssyncadd.s32 $0xFFFF8000  }
0x24: {  	[tilespmem:s6], [sflag:$0x1] =	stream.indirect.gather [hbm4b:s5+s6], $0x1, s2, s6, $0xb8;
	[tilespmem:$0x10100] =	vst v63  }
0x25: {  	_ =	swait.ge [sflag:s7], $0x8000  }
0x26: {  	[sflag:s7] =	ssyncset.done $0x0  }
0x27: {  	[sflag:s7] =	ssyncadd.s32 $0xFFFF8000  }
0x28: {  	[hbm4b:s8+s2] =	stream.linear.scatter [tilespmem:s6], [sflag:$0x2], $0x8000, $0x38;
	[tilespmem:$0x10100] =	vst v63  }
0x29: {  	_ =	swait.ge [sflag:s3], $0x8000  }
0x2a: {  	[sflag:s3] =	ssyncset.done $0x0  }
0x2b: {  	[sflag:s3] =	ssyncadd.s32 $0xFFFF8000  }
0x2c: {  	[tilespmem:s10], [sflag:$0x2] =	stream.linear.gather [hbm4b:s9+s2], $0x20, $0x38;
	[tilespmem:$0x10100] =	vst v63  }
0x2d: {  	_ =	swait.ge [sflag:s3], $0x20  }
0x2e: {  	[sflag:s3] =	ssyncset.done $0x0  }
0x2f: {  	[sflag:s3] =	ssyncadd.s32 $0xFFFFFFE0  }
0x30: {  	[tilespmem:s12], [sflag:$0x1] =	stream.indirect.gather [hbm4b:s5+s11], $0x1, s10, s11, $0xb8;
	[tilespmem:$0x10100] =	vst v63  }
0x31: {  	_ =	swait.ge [sflag:s7], $0x20  }
.Ltmp1:
0x32: {  	[sflag:s7] =	ssyncset.done $0x0;
	(pc) =	sbr.rel @p0 .LBB2_1-.Ltmp1, $4  }
0x33: {  	[sflag:s7] =	ssyncadd.s32 $0xFFFFFFE0  }
0x34: {  	[hbm4b:s13+s2] =	stream.linear.scatter [tilespmem:s12], [sflag:$0x2], $0x20, $0x38;
	[tilespmem:$0x10100] =	vst v63  }
0x35: {  	_ =	swait.ge [sflag:s3], $0x20  }
0x36: {  	[sflag:s3] =	ssyncset.done $0x0  }
.LBB2_2:
0x37: {  	[sflag:s3] =	ssyncadd.s32 $0xFFFFFFE0  }
0x38: {  	_ =	sfence.sel $0x180000  }
0x39: {  	[bflag:$0x0] =	sbarrier.arrive $0xFFFF  }
0x3a: {  	p0 =	sne.s32 s0, $0x0;
	_ =	strace $0x9000004D  }
0x3b: {  	s0 =	sadd.s32 @!p0 $0x100000, s1;
	[bflag:$0x2] =	sbarrier.arrive $0xFFFF  }
0x3c: {  	[sflag:s0] =	ssyncadd.tile.s32 @!p0 $0x1;
	_ =	shalt  }
.Lfunc_end2:
_tile_overlayer_lowered:
.L_overlay_start_2:
0x3d: {  	(tag) =	ssettag $0x2  }
0x3e: {  	s0 =	rddreg [dreg:$0x0];
	s2 =	stileid.u32  }
0x3f: {  	s1 =	rddreg [dreg:$0x1];
	p0 =	sne.s32 s2, $0x0  }
0x40: {  	s3 =	rddreg [dreg:$0x2];
	[bflag:$0x3] =	sbarrier.arrive $0xFFFF;
	s2 =	simm.s32 @!p0 $0x1C02  }
0x41: {  	[timem:s3], [sflag:s2] =	dma.local @!p0 [hbm:s0], s1  }
0x42: {  	s0 =	simm.s32 @!p0 $0x2  }
0x43: {  	_ =	swait.ge @!p0 [sflag:s0], s1  }
0x44: {  	s1 =	ssub.s32 @!p0 $0x0, s1;
	[sflag:s0] =	ssyncset.done @!p0 $0x0  }
0x45: {  	[sflag:s0] =	ssyncadd.s32 @!p0 s1  }
0x46: {  	[bflag:$0x3] =	sbarrier.arrive $0xFFFF  }
0x47: {  	_ =	shalt  }

// kernel: kernel.23.cloned.1.call-start
scs
__scs_entry_jumppad:
0x0: {  	(pc) =	sbr.rel $0x88, $3  }
0x1: {  	(tag) =	ssettag $0x0;
	lr =	simm.s32 $0x1  }
0x2: {  	[smem:$0x3F9C] =	sst lr;
	_ =	strace $0xD0000000  }
0x3: {  	_ = 	snop  }
0x4: {  	_ = 	snop  }
0x5: {  	_ = 	snop  }
0x6: {  	_ = 	snop  }
0x7: {  	_ = 	snop  }
__scs_overlays_trampoline_lowered:
0x8: {  	[smem:$0x3FAB] =	sst s0  }
0x9: {  	[smem:$0x3FAC] =	sst s1  }
0xa: {  	[smem:$0x3FAD] =	sst s2  }
0xb: {  	[smem:$0x3FAE] =	sst s3  }
0xc: {  	[smem:$0x3FAF] =	sst s4  }
0xd: {  	[smem:$0x3FB0] =	sst s5  }
0xe: {  	[smem:$0x3FB1] =	sst s6  }
0xf: {  	[smem:$0x3FB2] =	sst s7  }
0x10: {  	[smem:$0x3FB3] =	sst s8  }
0x11: {  	[smem:$0x3FB4] =	sst s9;
	s0 =	simm.s32 @!p0 $0x0  }
0x12: {  	s1 =	sld [smem:$0x3F9A];
	s0 =	simm.s32 @p0 $0x1  }
0x13: {  	[smem:$0x3FB5] =	sst s0;
	s0 =	simm.s32 @!p1 $0x0  }
0x14: {  	s2 =	sld [smem:$0x3F99];
	s0 =	simm.s32 @p1 $0x1  }
0x15: {  	[smem:$0x3FB6] =	sst s0;
	s0 =	simm.s32 @!p2 $0x0  }
0x16: {  	s3 =	sld [smem:$0x3FDB];
	s0 =	simm.s32 @p2 $0x1  }
0x17: {  	s4 =	simm.s32 $0x1BF5;
	[smem:$0x3FB8] =	sst s0  }
0x18: {  	s0 =	sld [smem:$0x3F9B];
	_ =	swait.ge [sflag:s4], $0x0  }
0x19: {  	s7 =	sld [smem:$0x3F9C]  }
0x1a: {  	s8 =	sadd.s32 $0xFFFFE003, lr  }
0x1b: {  	s9 =	sadd.s32 $0xFFFFFEF7, lr;
	s5 =	simm.s32 $0xFFFFFFFF;
	p2 =	slt.u32 s8, $0xFFFFF086  }
0x1c: {  	p1 =	slt.u32 s9, $0xF7A;
	s5 =	simm.s32 @!p2 $0x0  }
0x1d: {  	s5 =	simm.s32 @p1 $0x1;
	p0 =	seq.s32 s7, s2  }
0x1e: {  	s7 =	smul.u32 @!p0 $0xF7A, s2;
	p2 =	seq.s32 @!p0 s5, $0x0  }
0x1f: {  	s9 =	smul.u32 $0xF7A, s1;
	s8 =	simm.s32 @!p0 $0x1BF5;
	p2 =	por !p2, p0  }
0x20: {  	[sflag:s8] =	ssyncset.s32 @!p0 $0xFFFFF086;
	s6 =	sadd.s32 @!p0 s3, s7;
	s7 =	simm.s32 @!p0 $0x108  }
0x21: {  	s3 =	sadd.s32 s3, s9;
	s6 =	sadd.s32 @!p0 $0x88, s6;
	s7 =	simm.s32 @p2 $0x1082  }
0x22: {  	[simem:s7], [sflag:s8] =	dma.local @!p0 [hbm:s6], $0xF7A  }
0x23: {  	s9 =	sor.u32 $0xD0000000, s2;
	s6 =	simm.s32 $0x108;
	_ =	swait.ge @!p0 [sflag:s8], $0x0  }
0x24: {  	s3 =	sadd.s32 $0x88, s3;
	s6 =	simm.s32 @!p1 $0x1082;
	[sflag:s4] =	ssyncset.s32 $0xFFFFF086  }
0x25: {  	[simem:s6], [sflag:s4] =	dma.local [hbm:s3], $0xF7A  }
0x26: {  	[smem:$0x3F9C] =	sst s1;
	(tag) =	ssettag s2;
	_ =	strace s9  }
0x27: {  	s1 =	sld [smem:$0x3FAC]  }
0x28: {  	s2 =	sld [smem:$0x3FAD]  }
0x29: {  	s4 =	sld [smem:$0x3FAF]  }
0x2a: {  	p0 =	seq.s32 s5, $0x0;
	s5 =	sld [smem:$0x3FB0]  }
0x2b: {  	s6 =	sld [smem:$0x3FB1]  }
0x2c: {  	s7 =	sld [smem:$0x3FB2]  }
0x2d: {  	s3 =	simm.s32 $0x108;
	s8 =	sld [smem:$0x3FB3]  }
0x2e: {  	s3 =	simm.s32 @!p0 $0x1082;
	s9 =	sld [smem:$0x3FB4]  }
0x2f: {  	lr =	sadd.s32 s0, s3;
	s0 =	sld [smem:$0x3FAB]  }
0x30: {  	s3 =	sld [smem:$0x3FAE]  }
0x31: {  	[smem:$0x3FB7] =	sst s10  }
0x32: {  	s10 =	sld [smem:$0x3FB5];
	_ =	sdelay $0x3  }
0x33: {  	p0 =	seq.s32 s10, $0x1;
	s10 =	sld [smem:$0x3FB7];
	_ =	sdelay $0x3  }
0x34: {  	[smem:$0x3FB7] =	sst s10  }
0x35: {  	s10 =	sld [smem:$0x3FB6];
	_ =	sdelay $0x3  }
0x36: {  	p1 =	seq.s32 s10, $0x1;
	s10 =	sld [smem:$0x3FB7];
	_ =	sdelay $0x3  }
0x37: {  	[smem:$0x3FB7] =	sst s10  }
0x38: {  	s10 =	sld [smem:$0x3FB8]  }
0x39: {  	_ = 	snop;
	(pc) =	sbr.ind lr, $3  }
0x3a: {  	_ = 	snop  }
0x3b: {  	_ = 	snop  }
0x3c: {  	p2 =	seq.s32 s10, $0x1;
	s10 =	sld [smem:$0x3FB7]  }
0x3d: {  	_ =	shalt  }
0x3e: {  	_ =	shalt  }
0x3f: {  	_ =	shalt  }
0x40: {  	_ =	shalt  }
0x41: {  	_ =	shalt  }
0x42: {  	_ =	shalt  }
0x43: {  	_ =	shalt  }
0x44: {  	_ =	shalt  }
0x45: {  	_ =	shalt  }
0x46: {  	_ =	shalt  }
0x47: {  	_ =	shalt  }
0x48: {  	_ =	shalt  }
0x49: {  	_ =	shalt  }
0x4a: {  	_ =	shalt  }
0x4b: {  	_ =	shalt  }
0x4c: {  	_ =	shalt  }
0x4d: {  	_ =	shalt  }
0x4e: {  	_ =	shalt  }
0x4f: {  	_ =	shalt  }
0x50: {  	_ =	shalt  }
0x51: {  	_ =	shalt  }
0x52: {  	_ =	shalt  }
0x53: {  	_ =	shalt  }
0x54: {  	_ =	shalt  }
0x55: {  	_ =	shalt  }
0x56: {  	_ =	shalt  }
0x57: {  	_ =	shalt  }
0x58: {  	_ =	shalt  }
0x59: {  	_ =	shalt  }
0x5a: {  	_ =	shalt  }
0x5b: {  	_ =	shalt  }
0x5c: {  	_ =	shalt  }
0x5d: {  	_ =	shalt  }
0x5e: {  	_ =	shalt  }
0x5f: {  	_ =	shalt  }
0x60: {  	_ =	shalt  }
0x61: {  	_ =	shalt  }
0x62: {  	_ =	shalt  }
0x63: {  	_ =	shalt  }
0x64: {  	_ =	shalt  }
0x65: {  	_ =	shalt  }
0x66: {  	_ =	shalt  }
0x67: {  	_ =	shalt  }
0x68: {  	_ =	shalt  }
0x69: {  	_ =	shalt  }
0x6a: {  	_ =	shalt  }
0x6b: {  	_ =	shalt  }
0x6c: {  	_ =	shalt  }
0x6d: {  	_ =	shalt  }
0x6e: {  	_ =	shalt  }
0x6f: {  	_ =	shalt  }
0x70: {  	_ =	shalt  }
0x71: {  	_ =	shalt  }
0x72: {  	_ =	shalt  }
0x73: {  	_ =	shalt  }
0x74: {  	_ =	shalt  }
0x75: {  	_ =	shalt  }
0x76: {  	_ =	shalt  }
0x77: {  	_ =	shalt  }
0x78: {  	_ =	shalt  }
0x79: {  	_ =	shalt  }
0x7a: {  	_ =	shalt  }
0x7b: {  	_ =	shalt  }
0x7c: {  	_ =	shalt  }
0x7d: {  	_ =	shalt  }
0x7e: {  	_ =	shalt  }
0x7f: {  	_ =	shalt  }
0x80: {  	_ =	shalt  }
0x81: {  	_ =	shalt  }
0x82: {  	_ =	shalt  }
0x83: {  	_ =	shalt  }
0x84: {  	_ =	shalt  }
0x85: {  	_ =	shalt  }
0x86: {  	_ =	shalt  }
0x87: {  	_ =	shalt  }
.Lfunc_end0:
.L_simem_size_0:
called_computation.2_lowered:
.L_overlay_start_0:
0x88: {  	s2 =	sld [smem:$0x3FD9]  }
0x89: {  	s3 =	sld [smem:$0x3FFE];
	_ =	sdelay $0x1  }
0x8a: {  	s1 =	srdreg.scid  }
0x8b: {  	s0 =	sand.u32 $0x1, s1  }
0x8c: {  	s17 =	sshll.u32 s0, $0xA;
	s2 =	sadd.s32 s3, s2  }
0x8d: {  	s2 =	sadd.s32 s2, s17  }
0x8e: {  	[smem:$0x3FC3] =	sst s2  }
0x8f: {  	_ = 	snop  }
0x90: {  	(tm) =	ssettm $0x1  }
0x91: {  	s18 =	sld [smem:$0x3FFB];
	_ =	sdelay $0x3  }
0x92: {  	_ =	strace s18  }
0x93: {  	s2 =	sld [smem:$0x3FFC];
	_ =	sdelay $0x3  }
0x94: {  	_ =	strace s2  }
0x95: {  	s2 =	sld [smem:$0x3FFD];
	_ =	sdelay $0x3  }
0x96: {  	_ =	strace s2  }
0x97: {  	_ =	strace $0x8FFFFFFF  }
0x98: {  	s19 =	sld [smem:$0x3FDB];
	_ =	sdelay $0x1  }
0x99: {  	s20 =	simm.s32 $_scs_section_size  }
0x9a: {  	s4 =	simm.s32 $_size__tile_overlayer_lowered;
	s5 =	simm.s32 $_tile_overlayer_lowered  }
0x9b: {  	s6 =	simm.s32 $0x1BFF;
	s21 =	sshll.u32 s5, $0x1;
	s3 =	sadd.s32 s20, s19  }
0x9c: {  	s22 =	simm.s32 $0x0;
	s4 =	sshll.u32 s4, $0x1;
	s5 =	sadd.s32 s21, s3  }
0x9d: {  	[timem:s22], [sflag:s6] =	dma.local [hbm:s5], s4  }
0x9e: {  	_ =	swait.ge [sflag:s6], s4  }
0x9f: {  	s4 =	ssub.s32 $0x0, s4;
	[sflag:s6] =	ssyncset.done $0x0  }
0xa0: {  	[sflag:s6] =	ssyncadd.s32 s4;
	_ =	sdelay $0x1  }
0xa1: {  	s23 =	simm.s32 $0x1B8B  }
0xa2: {  	_ =	swait.ge [sflag:s23], $0x1  }
0xa3: {  	[sflag:s23] =	ssyncset.done $0x0  }
0xa4: {  	[sflag:s23] =	ssyncadd.s32 $0xFFFFFFFF  }
0xa5: {  	s4 =	sld [smem:$0x0]  }
0xa6: {  	s5 =	sand.u32 $0xFFFFFFFE, s1  }
0xa7: {  	p0 =	sne.s32 s1, s5  }
0xa8: {  	s5 =	sshll.u32 @p0 s5, $0xE  }
0xa9: {  	s5 =	sadd.s32 @p0 $0x11B8D, s5;
	s6 =	sshll.u32 @p0 s4, $0x11  }
0xaa: {  	s5 =	sor.u32 @p0 s6, s5  }
0xab: {  	[sflag:s5] =	ssyncadd.remote.s32 @p0 $0x1;
	_ =	sdelay $0x1  }
0xac: {  	s5 =	simm.s32 @p0 $0x1B8D  }
0xad: {  	_ =	swait.eq @p0 [sflag:s5], $0x1  }
0xae: {  	[sflag:s5] =	ssyncadd.s32 @p0 $0xFFFFFFFF  }
0xaf: {  	s6 =	sshll.u32 @!p0 s1, $0xE  }
0xb0: {  	s6 =	sor.u32 @!p0 $0x4000, s6;
	s5 =	simm.s32 @!p0 $0x1B8D  }
0xb1: {  	s4 =	sshll.u32 @!p0 s4, $0x11;
	s6 =	sadd.s32 @!p0 $0x11B8D, s6;
	_ =	swait.eq @!p0 [sflag:s5], $0x1  }
0xb2: {  	s4 =	sor.u32 @!p0 s4, s6;
	[sflag:s5] =	ssyncadd.s32 @!p0 $0xFFFFFFFF  }
0xb3: {  	s25 =	simm.s32 $0x1B8E;
	s24 =	sld [smem:$0x3FFE];
	[sflag:s4] =	ssyncadd.remote.s32 @!p0 $0x1  }
0xb4: {  	s26 =	simm.s32 $execute0_lowered;
	[smem:$0x3FD2] =	sst s25  }
0xb5: {  	s5 =	sshll.u32 s26, $0x1;
	_ =	strace $0x8000004F;
	[dreg:$0x1] =	wrdreg $0xFFFFFFFF  }
0xb6: {  	s28 =	simm.s32 $_size_execute0_lowered;
	s3 =	sadd.s32 s3, s5;
	[dreg:$0x0] =	wrdreg $0x0  }
0xb7: {  	s5 =	sshll.u32 s28, $0x1;
	[dreg:$0x2] =	wrdreg s3  }
0xb8: {  	[dreg:$0x3] =	wrdreg s5  }
0xb9: {  	[dreg:$0x4] =	wrdreg $0xC0  }
0xba: {  	_ =	task [dreg:s22], $0x5FFFF  }
0xbb: {  	[dreg:$0x1] =	wrdreg $0xFFFFFFFF  }
0xbc: {  	[dreg:$0x0] =	wrdreg $0x60  }
0xbd: {  	[dreg:$0x2] =	wrdreg s24  }
0xbe: {  	[dreg:$0x3] =	wrdreg $0xB  }
0xbf: {  	_ =	task.clear_ibuf [dreg:s22], $0x4FFFF;
	_ =	strace $0x9000004F  }
0xc0: {  	s29 =	simm.s32 $0xB;
	_ =	strace $0x80000051  }
0xc1: {  	_ =	swait.ge [sflag:s29], $0x1  }
0xc2: {  	[sflag:s29] =	ssyncadd.s32 $0xFFFFFFFF  }
0xc3: {  	_ =	strace $0x90000051  }
0xc4: {  	_ =	sfence  }
0xc5: {  	s30 =	sld [smem:$0x0];
	_ =	sdelay $0x2  }
0xc6: {  	s31 =	sshll.u32 s1, $0xD;
	s1 =	sshrl.u32 s1, $0x2  }
0xc7: {  	s4 =	sand.u32 $0x4000, s31;
	s1 =	sadd.s32 s1, s30  }
0xc8: {  	s0 =	sor.u32 s4, s0;
	s1 =	sshll.u32 s1, $0x11  }
0xc9: {  	s0 =	sor.u32 s1, s0  }
0xca: {  	s0 =	sadd.s32 $0x8F2B, s0  }
0xcb: {  	[sflag:s0] =	ssyncadd.remote.s32 $0x1  }
0xcc: {  	_ =	sfence.sel $0xFFFF  }
0xcd: {  	[dreg:$0x0] =	wrdreg $0xFFFFFFFF;
	(pc) =	sbr.abs _section_cstart, $3  }
0xce: {  	[dreg:$0x1] =	wrdreg $0xFFFFFFFF  }
0xcf: {  	_ =	task.clear_ibuf [dreg:s22], $0x2FFFF;
	_ =	strace $0x9FFFFFFF  }
0xd0: {  	(tm) =	ssettm $0x7FFFFFFF  }
0xd1: {  	_ =	shalt  }
tec
execute0_lowered:
.L_overlay_start_1:
0x0: {  	(tag) =	ssettag $0x1  }
0x1: {  	s1 =	srdreg.scid  }
0x2: {  	s0 =	stileid.u32;
	s5 =	rddreg [dreg:$0x0];
	s6 =	sand.u32 $0x1, s1  }
0x3: {  	s2 =	simm.s32 $0x0;
	s3 =	sshll.u32 s0, $0xD;
	s4 =	sshll.u32 s6, $0xC  }
0x4: {  	[smem:$0x7FF] =	sst s2;
	s3 =	sor.u32 s4, s3  }
0x5: {  	s1 =	rddreg [dreg:$0x1];
	_ =	strace $0x80000050;
	s8 =	sadd.s32 s3, s5  }
0x6: {  	s9 =	ssub.s32 $0x2, s6;
	s3 =	simm.s32 $0x2;
	s4 =	sadd.s32 $0xCF9A00, s8  }
0x7: {  	[tilespmem:s2], [sflag:$0x2] =	stream.linear.gather [hbm4b:s4+s2], $0x8000, $0x38;
	[tilespmem:$0x10000] =	vst v63  }
0x8: {  	s7 =	simm.s32 $0x1;
	s10 =	sshrl.u32 s9, $0x1;
	_ =	swait.ge [sflag:s3], $0x8000  }
0x9: {  	s6 =	simm.s32 $0x8000;
	s9 =	ssub.s32 s9, s10;
	[sflag:s3] =	ssyncset.done $0x0  }
0xa: {  	s5 =	sadd.s32 $0x9EC600, s5;
	s9 =	smax.u32 s9, $0x1;
	[sflag:s3] =	ssyncadd.s32 $0xFFFF8000  }
0xb: {  	[tilespmem:s6], [sflag:$0x1] =	stream.indirect.gather [hbm4b:s5+s6], $0x1, s2, s6, $0xb8;
	[tilespmem:$0x10000] =	vst v63  }
0xc: {  	p0 =	sne.s32 s9, $0x1;
	_ =	swait.ge [sflag:s7], $0x8000  }
.Ltmp0:
0xd: {  	[sflag:s7] =	ssyncset.done $0x0;
	(pc) =	sbr.rel @!p0 .LBB2_2-.Ltmp0, $4  }
0xe: {  	s8 =	sadd.s32 $0xD19A00, s8;
	[sflag:s7] =	ssyncadd.s32 $0xFFFF8000  }
0xf: {  	[hbm4b:s8+s2] =	stream.linear.scatter [tilespmem:s6], [sflag:$0x2], $0x8000, $0x38;
	[tilespmem:$0x10000] =	vst v63  }
0x10: {  	_ =	swait.ge [sflag:s3], $0x8000  }
0x11: {  	s9 =	sadd.s32 $0xFFFFFFFF, s9;
	[sflag:s3] =	ssyncset.done $0x0  }
.LBB2_1:
0x12: {  	p0 =	sne.s32 s9, $0x1;
	s9 =	sadd.s32 $0xFFFFFFFF, s9;
	[sflag:s3] =	ssyncadd.s32 $0xFFFF8000  }
0x13: {  	[tilespmem:s2], [sflag:$0x2] =	stream.linear.gather [hbm4b:s4+s2], $0x8000, $0x38;
	[tilespmem:$0x10000] =	vst v63  }
0x14: {  	_ =	swait.ge [sflag:s3], $0x8000  }
0x15: {  	[sflag:s3] =	ssyncset.done $0x0  }
0x16: {  	[sflag:s3] =	ssyncadd.s32 $0xFFFF8000  }
0x17: {  	[tilespmem:s6], [sflag:$0x1] =	stream.indirect.gather [hbm4b:s5+s6], $0x1, s2, s6, $0xb8;
	[tilespmem:$0x10000] =	vst v63  }
0x18: {  	_ =	swait.ge [sflag:s7], $0x8000  }
.Ltmp1:
0x19: {  	[sflag:s7] =	ssyncset.done $0x0;
	(pc) =	sbr.rel @p0 .LBB2_1-.Ltmp1, $4  }
0x1a: {  	[sflag:s7] =	ssyncadd.s32 $0xFFFF8000  }
0x1b: {  	[hbm4b:s8+s2] =	stream.linear.scatter [tilespmem:s6], [sflag:$0x2], $0x8000, $0x38;
	[tilespmem:$0x10000] =	vst v63  }
0x1c: {  	_ =	swait.ge [sflag:s3], $0x8000  }
0x1d: {  	[sflag:s3] =	ssyncset.done $0x0  }
.LBB2_2:
0x1e: {  	[sflag:s3] =	ssyncadd.s32 $0xFFFF8000  }
0x1f: {  	_ =	sfence.sel $0x180000  }
0x20: {  	[bflag:$0x0] =	sbarrier.arrive $0xFFFF  }
0x21: {  	p0 =	sne.s32 s0, $0x0;
	_ =	strace $0x90000050  }
0x22: {  	s0 =	sadd.s32 @!p0 $0x100000, s1;
	[bflag:$0x2] =	sbarrier.arrive $0xFFFF  }
0x23: {  	[sflag:s0] =	ssyncadd.tile.s32 @!p0 $0x1;
	_ =	shalt  }
.Lfunc_end2:
_tile_overlayer_lowered:
.L_overlay_start_2:
0x24: {  	(tag) =	ssettag $0x2  }
0x25: {  	s0 =	rddreg [dreg:$0x0];
	s2 =	stileid.u32  }
0x26: {  	s1 =	rddreg [dreg:$0x1];
	p0 =	sne.s32 s2, $0x0  }
0x27: {  	s3 =	rddreg [dreg:$0x2];
	[bflag:$0x3] =	sbarrier.arrive $0xFFFF;
	s2 =	simm.s32 @!p0 $0x1C02  }
0x28: {  	[timem:s3], [sflag:s2] =	dma.local @!p0 [hbm:s0], s1  }
0x29: {  	s0 =	simm.s32 @!p0 $0x2  }
0x2a: {  	_ =	swait.ge @!p0 [sflag:s0], s1  }
0x2b: {  	s1 =	ssub.s32 @!p0 $0x0, s1;
	[sflag:s0] =	ssyncset.done @!p0 $0x0  }
0x2c: {  	[sflag:s0] =	ssyncadd.s32 @!p0 s1  }
0x2d: {  	[bflag:$0x3] =	sbarrier.arrive $0xFFFF  }
0x2e: {  	_ =	shalt  }

// kernel: kernel.26.cloned.1.call-start
scs
__scs_entry_jumppad:
0x0: {  	(pc) =	sbr.rel $0x88, $3  }
0x1: {  	(tag) =	ssettag $0x0;
	lr =	simm.s32 $0x1  }
0x2: {  	[smem:$0x3F9C] =	sst lr;
	_ =	strace $0xD0000000  }
0x3: {  	_ = 	snop  }
0x4: {  	_ = 	snop  }
0x5: {  	_ = 	snop  }
0x6: {  	_ = 	snop  }
0x7: {  	_ = 	snop  }
__scs_overlays_trampoline_lowered:
0x8: {  	[smem:$0x3FAB] =	sst s0  }
0x9: {  	[smem:$0x3FAC] =	sst s1  }
0xa: {  	[smem:$0x3FAD] =	sst s2  }
0xb: {  	[smem:$0x3FAE] =	sst s3  }
0xc: {  	[smem:$0x3FAF] =	sst s4  }
0xd: {  	[smem:$0x3FB0] =	sst s5  }
0xe: {  	[smem:$0x3FB1] =	sst s6  }
0xf: {  	[smem:$0x3FB2] =	sst s7  }
0x10: {  	[smem:$0x3FB3] =	sst s8  }
0x11: {  	[smem:$0x3FB4] =	sst s9;
	s0 =	simm.s32 @!p0 $0x0  }
0x12: {  	s1 =	sld [smem:$0x3F9A];
	s0 =	simm.s32 @p0 $0x1  }
0x13: {  	[smem:$0x3FB5] =	sst s0;
	s0 =	simm.s32 @!p1 $0x0  }
0x14: {  	s2 =	sld [smem:$0x3F99];
	s0 =	simm.s32 @p1 $0x1  }
0x15: {  	[smem:$0x3FB6] =	sst s0;
	s0 =	simm.s32 @!p2 $0x0  }
0x16: {  	s3 =	sld [smem:$0x3FDB];
	s0 =	simm.s32 @p2 $0x1  }
0x17: {  	s4 =	simm.s32 $0x1BF5;
	[smem:$0x3FB8] =	sst s0  }
0x18: {  	s0 =	sld [smem:$0x3F9B];
	_ =	swait.ge [sflag:s4], $0x0  }
0x19: {  	s7 =	sld [smem:$0x3F9C]  }
0x1a: {  	s8 =	sadd.s32 $0xFFFFE003, lr  }
0x1b: {  	s9 =	sadd.s32 $0xFFFFFEF7, lr;
	s5 =	simm.s32 $0xFFFFFFFF;
	p2 =	slt.u32 s8, $0xFFFFF086  }
0x1c: {  	p1 =	slt.u32 s9, $0xF7A;
	s5 =	simm.s32 @!p2 $0x0  }
0x1d: {  	s5 =	simm.s32 @p1 $0x1;
	p0 =	seq.s32 s7, s2  }
0x1e: {  	s7 =	smul.u32 @!p0 $0xF7A, s2;
	p2 =	seq.s32 @!p0 s5, $0x0  }
0x1f: {  	s9 =	smul.u32 $0xF7A, s1;
	s8 =	simm.s32 @!p0 $0x1BF5;
	p2 =	por !p2, p0  }
0x20: {  	[sflag:s8] =	ssyncset.s32 @!p0 $0xFFFFF086;
	s6 =	sadd.s32 @!p0 s3, s7;
	s7 =	simm.s32 @!p0 $0x108  }
0x21: {  	s3 =	sadd.s32 s3, s9;
	s6 =	sadd.s32 @!p0 $0x88, s6;
	s7 =	simm.s32 @p2 $0x1082  }
0x22: {  	[simem:s7], [sflag:s8] =	dma.local @!p0 [hbm:s6], $0xF7A  }
0x23: {  	s9 =	sor.u32 $0xD0000000, s2;
	s6 =	simm.s32 $0x108;
	_ =	swait.ge @!p0 [sflag:s8], $0x0  }
0x24: {  	s3 =	sadd.s32 $0x88, s3;
	s6 =	simm.s32 @!p1 $0x1082;
	[sflag:s4] =	ssyncset.s32 $0xFFFFF086  }
0x25: {  	[simem:s6], [sflag:s4] =	dma.local [hbm:s3], $0xF7A  }
0x26: {  	[smem:$0x3F9C] =	sst s1;
	(tag) =	ssettag s2;
	_ =	strace s9  }
0x27: {  	s1 =	sld [smem:$0x3FAC]  }
0x28: {  	s2 =	sld [smem:$0x3FAD]  }
0x29: {  	s4 =	sld [smem:$0x3FAF]  }
0x2a: {  	p0 =	seq.s32 s5, $0x0;
	s5 =	sld [smem:$0x3FB0]  }
0x2b: {  	s6 =	sld [smem:$0x3FB1]  }
0x2c: {  	s7 =	sld [smem:$0x3FB2]  }
0x2d: {  	s3 =	simm.s32 $0x108;
	s8 =	sld [smem:$0x3FB3]  }
0x2e: {  	s3 =	simm.s32 @!p0 $0x1082;
	s9 =	sld [smem:$0x3FB4]  }
0x2f: {  	lr =	sadd.s32 s0, s3;
	s0 =	sld [smem:$0x3FAB]  }
0x30: {  	s3 =	sld [smem:$0x3FAE]  }
0x31: {  	[smem:$0x3FB7] =	sst s10  }
0x32: {  	s10 =	sld [smem:$0x3FB5];
	_ =	sdelay $0x3  }
0x33: {  	p0 =	seq.s32 s10, $0x1;
	s10 =	sld [smem:$0x3FB7];
	_ =	sdelay $0x3  }
0x34: {  	[smem:$0x3FB7] =	sst s10  }
0x35: {  	s10 =	sld [smem:$0x3FB6];
	_ =	sdelay $0x3  }
0x36: {  	p1 =	seq.s32 s10, $0x1;
	s10 =	sld [smem:$0x3FB7];
	_ =	sdelay $0x3  }
0x37: {  	[smem:$0x3FB7] =	sst s10  }
0x38: {  	s10 =	sld [smem:$0x3FB8]  }
0x39: {  	_ = 	snop;
	(pc) =	sbr.ind lr, $3  }
0x3a: {  	_ = 	snop  }
0x3b: {  	_ = 	snop  }
0x3c: {  	p2 =	seq.s32 s10, $0x1;
	s10 =	sld [smem:$0x3FB7]  }
0x3d: {  	_ =	shalt  }
0x3e: {  	_ =	shalt  }
0x3f: {  	_ =	shalt  }
0x40: {  	_ =	shalt  }
0x41: {  	_ =	shalt  }
0x42: {  	_ =	shalt  }
0x43: {  	_ =	shalt  }
0x44: {  	_ =	shalt  }
0x45: {  	_ =	shalt  }
0x46: {  	_ =	shalt  }
0x47: {  	_ =	shalt  }
0x48: {  	_ =	shalt  }
0x49: {  	_ =	shalt  }
0x4a: {  	_ =	shalt  }
0x4b: {  	_ =	shalt  }
0x4c: {  	_ =	shalt  }
0x4d: {  	_ =	shalt  }
0x4e: {  	_ =	shalt  }
0x4f: {  	_ =	shalt  }
0x50: {  	_ =	shalt  }
0x51: {  	_ =	shalt  }
0x52: {  	_ =	shalt  }
0x53: {  	_ =	shalt  }
0x54: {  	_ =	shalt  }
0x55: {  	_ =	shalt  }
0x56: {  	_ =	shalt  }
0x57: {  	_ =	shalt  }
0x58: {  	_ =	shalt  }
0x59: {  	_ =	shalt  }
0x5a: {  	_ =	shalt  }
0x5b: {  	_ =	shalt  }
0x5c: {  	_ =	shalt  }
0x5d: {  	_ =	shalt  }
0x5e: {  	_ =	shalt  }
0x5f: {  	_ =	shalt  }
0x60: {  	_ =	shalt  }
0x61: {  	_ =	shalt  }
0x62: {  	_ =	shalt  }
0x63: {  	_ =	shalt  }
0x64: {  	_ =	shalt  }
0x65: {  	_ =	shalt  }
0x66: {  	_ =	shalt  }
0x67: {  	_ =	shalt  }
0x68: {  	_ =	shalt  }
0x69: {  	_ =	shalt  }
0x6a: {  	_ =	shalt  }
0x6b: {  	_ =	shalt  }
0x6c: {  	_ =	shalt  }
0x6d: {  	_ =	shalt  }
0x6e: {  	_ =	shalt  }
0x6f: {  	_ =	shalt  }
0x70: {  	_ =	shalt  }
0x71: {  	_ =	shalt  }
0x72: {  	_ =	shalt  }
0x73: {  	_ =	shalt  }
0x74: {  	_ =	shalt  }
0x75: {  	_ =	shalt  }
0x76: {  	_ =	shalt  }
0x77: {  	_ =	shalt  }
0x78: {  	_ =	shalt  }
0x79: {  	_ =	shalt  }
0x7a: {  	_ =	shalt  }
0x7b: {  	_ =	shalt  }
0x7c: {  	_ =	shalt  }
0x7d: {  	_ =	shalt  }
0x7e: {  	_ =	shalt  }
0x7f: {  	_ =	shalt  }
0x80: {  	_ =	shalt  }
0x81: {  	_ =	shalt  }
0x82: {  	_ =	shalt  }
0x83: {  	_ =	shalt  }
0x84: {  	_ =	shalt  }
0x85: {  	_ =	shalt  }
0x86: {  	_ =	shalt  }
0x87: {  	_ =	shalt  }
.Lfunc_end0:
.L_simem_size_0:
called_computation.3_lowered:
.L_overlay_start_0:
0x88: {  	s2 =	sld [smem:$0x3FD9]  }
0x89: {  	s3 =	sld [smem:$0x3FFE];
	_ =	sdelay $0x1  }
0x8a: {  	s1 =	srdreg.scid  }
0x8b: {  	s0 =	sand.u32 $0x1, s1  }
0x8c: {  	s16 =	sshll.u32 s0, $0xA;
	s2 =	sadd.s32 s3, s2  }
0x8d: {  	s2 =	sadd.s32 s2, s16  }
0x8e: {  	[smem:$0x3FC3] =	sst s2  }
0x8f: {  	_ = 	snop  }
0x90: {  	(tm) =	ssettm $0x1  }
0x91: {  	s17 =	sld [smem:$0x3FFB];
	_ =	sdelay $0x3  }
0x92: {  	_ =	strace s17  }
0x93: {  	s2 =	sld [smem:$0x3FFC];
	_ =	sdelay $0x3  }
0x94: {  	_ =	strace s2  }
0x95: {  	s2 =	sld [smem:$0x3FFD];
	_ =	sdelay $0x3  }
0x96: {  	_ =	strace s2  }
0x97: {  	_ =	strace $0x8FFFFFFF  }
0x98: {  	s18 =	sld [smem:$0x3FDB];
	_ =	sdelay $0x1  }
0x99: {  	s19 =	simm.s32 $_scs_section_size  }
0x9a: {  	s4 =	simm.s32 $_size__tile_overlayer_lowered;
	s5 =	simm.s32 $_tile_overlayer_lowered  }
0x9b: {  	s22 =	simm.s32 $0x1BFF;
	s21 =	sshll.u32 s5, $0x1;
	s2 =	sadd.s32 s19, s18  }
0x9c: {  	s6 =	simm.s32 $0x0;
	s20 =	sshll.u32 s4, $0x1;
	s4 =	sadd.s32 s21, s2  }
0x9d: {  	[timem:s6], [sflag:s22] =	dma.local [hbm:s4], s20  }
0x9e: {  	_ =	swait.ge [sflag:s22], s20  }
0x9f: {  	s3 =	ssub.s32 $0x0, s20;
	[sflag:s22] =	ssyncset.done $0x0  }
0xa0: {  	[sflag:s22] =	ssyncadd.s32 s3;
	_ =	sdelay $0x1  }
0xa1: {  	s23 =	simm.s32 $0x1B8B  }
0xa2: {  	_ =	swait.ge [sflag:s23], $0x1  }
0xa3: {  	[sflag:s23] =	ssyncset.done $0x0  }
0xa4: {  	s25 =	simm.s32 $0x1B8E;
	s24 =	sld [smem:$0x3FFE];
	[sflag:s23] =	ssyncadd.s32 $0xFFFFFFFF  }
0xa5: {  	s26 =	simm.s32 $execute0_lowered;
	[smem:$0x3FD2] =	sst s25  }
0xa6: {  	s4 =	sshll.u32 s26, $0x1;
	_ =	strace $0x80000046;
	[dreg:$0x1] =	wrdreg $0xFFFFFFFF  }
0xa7: {  	s28 =	simm.s32 $_size_execute0_lowered;
	s2 =	sadd.s32 s2, s4;
	[dreg:$0x0] =	wrdreg $0x0  }
0xa8: {  	s4 =	sshll.u32 s28, $0x1;
	[dreg:$0x2] =	wrdreg s2  }
0xa9: {  	[dreg:$0x3] =	wrdreg s4  }
0xaa: {  	[dreg:$0x4] =	wrdreg $0xC0  }
0xab: {  	_ =	task [dreg:s6], $0x5FFFF  }
0xac: {  	[dreg:$0x1] =	wrdreg $0xFFFFFFFF  }
0xad: {  	[dreg:$0x0] =	wrdreg $0x60  }
0xae: {  	[dreg:$0x2] =	wrdreg s24  }
0xaf: {  	[dreg:$0x3] =	wrdreg $0xC  }
0xb0: {  	_ =	task.clear_ibuf [dreg:s6], $0x4FFFF;
	_ =	strace $0x90000046  }
0xb1: {  	s29 =	simm.s32 $0xC;
	_ =	strace $0x80000048  }
0xb2: {  	_ =	swait.ge [sflag:s29], $0x1  }
0xb3: {  	[sflag:s29] =	ssyncadd.s32 $0xFFFFFFFF  }
0xb4: {  	_ =	strace $0x90000048  }
0xb5: {  	_ =	sfence  }
0xb6: {  	s30 =	sld [smem:$0x0];
	_ =	sdelay $0x2  }
0xb7: {  	s31 =	sshll.u32 s1, $0xD;
	s1 =	sshrl.u32 s1, $0x2  }
0xb8: {  	s3 =	sand.u32 $0x4000, s31;
	s1 =	sadd.s32 s1, s30  }
0xb9: {  	s0 =	sor.u32 s3, s0;
	s1 =	sshll.u32 s1, $0x11  }
0xba: {  	s0 =	sor.u32 s1, s0  }
0xbb: {  	s0 =	sadd.s32 $0x8F2B, s0  }
0xbc: {  	[sflag:s0] =	ssyncadd.remote.s32 $0x1  }
0xbd: {  	_ =	sfence.sel $0xFFFF  }
0xbe: {  	[dreg:$0x0] =	wrdreg $0xFFFFFFFF;
	(pc) =	sbr.abs _section_cstart, $3  }
0xbf: {  	[dreg:$0x1] =	wrdreg $0xFFFFFFFF  }
0xc0: {  	_ =	task.clear_ibuf [dreg:s6], $0x2FFFF;
	_ =	strace $0x9FFFFFFF  }
0xc1: {  	(tm) =	ssettm $0x7FFFFFFF  }
tec
execute0_lowered:
.L_overlay_start_1:
0x0: {  	(tag) =	ssettag $0x1  }
0x1: {  	s1 =	srdreg.scid;
	s0 =	stileid.u32  }
0x2: {  	s11 =	sand.u32 $0x1, s1;
	s30 =	sshll.u32 s0, $0x1  }
0x3: {  	s1 =	sor.u32 s11, s30  }
0x4: {  	s8 =	rddreg [dreg:$0x0];
	s2 =	simm.s32 $0x0;
	s3 =	smul.u32 $0x8020, s1  }
0x5: {  	[smem:$0x7FF] =	sst s2  }
0x6: {  	s9 =	sadd.s32 $0x311600, s8;
	s1 =	rddreg [dreg:$0x1];
	s10 =	sshrl.u32 s3, $0x3  }
0x7: {  	_ =	strace $0x80000047;
	s3 =	simm.s32 $0x2;
	s4 =	sadd.s32 s9, s10  }
0x8: {  	[tilespmem:s2], [sflag:$0x2] =	stream.linear.gather [hbm4b:s4+s2], $0x8000, $0x38;
	[tilespmem:$0x10100] =	vst v63  }
0x9: {  	_ =	swait.ge [sflag:s3], $0x8000  }
0xa: {  	s6 =	simm.s32 $0x8000;
	[sflag:s3] =	ssyncset.done $0x0  }
0xb: {  	s7 =	simm.s32 $0x1;
	s5 =	sadd.s32 $0x4200, s8;
	[sflag:s3] =	ssyncadd.s32 $0xFFFF8000  }
0xc: {  	[tilespmem:s6], [sflag:$0x1] =	stream.indirect.gather [hbm4b:s5+s6], $0x1, s2, s6, $0xb8;
	[tilespmem:$0x10100] =	vst v63  }
0xd: {  	_ =	swait.ge [sflag:s7], $0x8000  }
0xe: {  	s13 =	sadd.s32 $0x331800, s8;
	[sflag:s7] =	ssyncset.done $0x0  }
0xf: {  	s8 =	sadd.s32 s13, s10;
	[sflag:s7] =	ssyncadd.s32 $0xFFFF8000  }
0x10: {  	[hbm4b:s8+s2] =	stream.linear.scatter [tilespmem:s6], [sflag:$0x2], $0x8000, $0x38;
	[tilespmem:$0x10100] =	vst v63  }
0x11: {  	_ =	swait.ge [sflag:s3], $0x8000  }
0x12: {  	s15 =	ssub.s32 $0x2, s11;
	s14 =	sadd.s32 $0x1000, s10;
	[sflag:s3] =	ssyncset.done $0x0  }
0x13: {  	s10 =	simm.s32 $0x10000;
	s9 =	sadd.s32 s9, s14;
	[sflag:s3] =	ssyncadd.s32 $0xFFFF8000  }
0x14: {  	[tilespmem:s10], [sflag:$0x2] =	stream.linear.gather [hbm4b:s9+s2], $0x20, $0x38;
	[tilespmem:$0x10100] =	vst v63  }
0x15: {  	s16 =	sshrl.u32 s15, $0x1;
	_ =	swait.ge [sflag:s3], $0x20  }
0x16: {  	s12 =	simm.s32 $0x10080;
	s15 =	ssub.s32 s15, s16;
	[sflag:s3] =	ssyncset.done $0x0  }
0x17: {  	s11 =	simm.s32 $0x20;
	s31 =	smax.u32 s15, $0x1;
	[sflag:s3] =	ssyncadd.s32 $0xFFFFFFE0  }
0x18: {  	[tilespmem:s12], [sflag:$0x1] =	stream.indirect.gather [hbm4b:s5+s11], $0x1, s10, s11, $0xb8;
	[tilespmem:$0x10100] =	vst v63  }
0x19: {  	p0 =	sne.s32 s31, $0x1;
	_ =	swait.ge [sflag:s7], $0x20  }
.Ltmp0:
0x1a: {  	[sflag:s7] =	ssyncset.done $0x0;
	(pc) =	sbr.rel @!p0 .LBB2_2-.Ltmp0, $4  }
0x1b: {  	s13 =	sadd.s32 s13, s14;
	[sflag:s7] =	ssyncadd.s32 $0xFFFFFFE0  }
0x1c: {  	[hbm4b:s13+s2] =	stream.linear.scatter [tilespmem:s12], [sflag:$0x2], $0x20, $0x38;
	[tilespmem:$0x10100] =	vst v63  }
0x1d: {  	_ =	swait.ge [sflag:s3], $0x20  }
0x1e: {  	s14 =	sadd.s32 $0xFFFFFFFF, s31;
	[sflag:s3] =	ssyncset.done $0x0  }
.LBB2_1:
0x1f: {  	p0 =	sne.s32 s14, $0x1;
	s14 =	sadd.s32 $0xFFFFFFFF, s14;
	[sflag:s3] =	ssyncadd.s32 $0xFFFFFFE0  }
0x20: {  	[tilespmem:s2], [sflag:$0x2] =	stream.linear.gather [hbm4b:s4+s2], $0x8000, $0x38;
	[tilespmem:$0x10100] =	vst v63  }
0x21: {  	_ =	swait.ge [sflag:s3], $0x8000  }
0x22: {  	[sflag:s3] =	ssyncset.done $0x0  }
0x23: {  	[sflag:s3] =	ssyncadd.s32 $0xFFFF8000  }
0x24: {  	[tilespmem:s6], [sflag:$0x1] =	stream.indirect.gather [hbm4b:s5+s6], $0x1, s2, s6, $0xb8;
	[tilespmem:$0x10100] =	vst v63  }
0x25: {  	_ =	swait.ge [sflag:s7], $0x8000  }
0x26: {  	[sflag:s7] =	ssyncset.done $0x0  }
0x27: {  	[sflag:s7] =	ssyncadd.s32 $0xFFFF8000  }
0x28: {  	[hbm4b:s8+s2] =	stream.linear.scatter [tilespmem:s6], [sflag:$0x2], $0x8000, $0x38;
	[tilespmem:$0x10100] =	vst v63  }
0x29: {  	_ =	swait.ge [sflag:s3], $0x8000  }
0x2a: {  	[sflag:s3] =	ssyncset.done $0x0  }
0x2b: {  	[sflag:s3] =	ssyncadd.s32 $0xFFFF8000  }
0x2c: {  	[tilespmem:s10], [sflag:$0x2] =	stream.linear.gather [hbm4b:s9+s2], $0x20, $0x38;
	[tilespmem:$0x10100] =	vst v63  }
0x2d: {  	_ =	swait.ge [sflag:s3], $0x20  }
0x2e: {  	[sflag:s3] =	ssyncset.done $0x0  }
0x2f: {  	[sflag:s3] =	ssyncadd.s32 $0xFFFFFFE0  }
0x30: {  	[tilespmem:s12], [sflag:$0x1] =	stream.indirect.gather [hbm4b:s5+s11], $0x1, s10, s11, $0xb8;
	[tilespmem:$0x10100] =	vst v63  }
0x31: {  	_ =	swait.ge [sflag:s7], $0x20  }
.Ltmp1:
0x32: {  	[sflag:s7] =	ssyncset.done $0x0;
	(pc) =	sbr.rel @p0 .LBB2_1-.Ltmp1, $4  }
0x33: {  	[sflag:s7] =	ssyncadd.s32 $0xFFFFFFE0  }
0x34: {  	[hbm4b:s13+s2] =	stream.linear.scatter [tilespmem:s12], [sflag:$0x2], $0x20, $0x38;
	[tilespmem:$0x10100] =	vst v63  }
0x35: {  	_ =	swait.ge [sflag:s3], $0x20  }
0x36: {  	[sflag:s3] =	ssyncset.done $0x0  }
.LBB2_2:
0x37: {  	[sflag:s3] =	ssyncadd.s32 $0xFFFFFFE0  }
0x38: {  	_ =	sfence.sel $0x180000  }
0x39: {  	[bflag:$0x0] =	sbarrier.arrive $0xFFFF  }
0x3a: {  	p0 =	sne.s32 s0, $0x0;
	_ =	strace $0x90000047  }
0x3b: {  	s0 =	sadd.s32 @!p0 $0x100000, s1;
	[bflag:$0x2] =	sbarrier.arrive $0xFFFF  }
0x3c: {  	[sflag:s0] =	ssyncadd.tile.s32 @!p0 $0x1;
	_ =	shalt  }
.Lfunc_end2:
_tile_overlayer_lowered:
.L_overlay_start_2:
0x3d: {  	(tag) =	ssettag $0x2  }
0x3e: {  	s0 =	rddreg [dreg:$0x0];
	s2 =	stileid.u32  }
0x3f: {  	s1 =	rddreg [dreg:$0x1];
	p0 =	sne.s32 s2, $0x0  }
0x40: {  	s3 =	rddreg [dreg:$0x2];
	[bflag:$0x3] =	sbarrier.arrive $0xFFFF;
	s2 =	simm.s32 @!p0 $0x1C02  }
0x41: {  	[timem:s3], [sflag:s2] =	dma.local @!p0 [hbm:s0], s1  }
0x42: {  	s0 =	simm.s32 @!p0 $0x2  }
0x43: {  	_ =	swait.ge @!p0 [sflag:s0], s1  }
0x44: {  	s1 =	ssub.s32 @!p0 $0x0, s1;
	[sflag:s0] =	ssyncset.done @!p0 $0x0  }
0x45: {  	[sflag:s0] =	ssyncadd.s32 @!p0 s1  }
0x46: {  	[bflag:$0x3] =	sbarrier.arrive $0xFFFF  }
0x47: {  	_ =	shalt  }

// kernel: kernel.29.cloned.1.call-start
scs
__scs_entry_jumppad:
0x0: {  	(pc) =	sbr.rel $0x88, $3  }
0x1: {  	(tag) =	ssettag $0x0;
	lr =	simm.s32 $0x1  }
0x2: {  	[smem:$0x3F9C] =	sst lr;
	_ =	strace $0xD0000000  }
0x3: {  	_ = 	snop  }
0x4: {  	_ = 	snop  }
0x5: {  	_ = 	snop  }
0x6: {  	_ = 	snop  }
0x7: {  	_ = 	snop  }
__scs_overlays_trampoline_lowered:
0x8: {  	[smem:$0x3FAB] =	sst s0  }
0x9: {  	[smem:$0x3FAC] =	sst s1  }
0xa: {  	[smem:$0x3FAD] =	sst s2  }
0xb: {  	[smem:$0x3FAE] =	sst s3  }
0xc: {  	[smem:$0x3FAF] =	sst s4  }
0xd: {  	[smem:$0x3FB0] =	sst s5  }
0xe: {  	[smem:$0x3FB1] =	sst s6  }
0xf: {  	[smem:$0x3FB2] =	sst s7  }
0x10: {  	[smem:$0x3FB3] =	sst s8  }
0x11: {  	[smem:$0x3FB4] =	sst s9;
	s0 =	simm.s32 @!p0 $0x0  }
0x12: {  	s1 =	sld [smem:$0x3F9A];
	s0 =	simm.s32 @p0 $0x1  }
0x13: {  	[smem:$0x3FB5] =	sst s0;
	s0 =	simm.s32 @!p1 $0x0  }
0x14: {  	s2 =	sld [smem:$0x3F99];
	s0 =	simm.s32 @p1 $0x1  }
0x15: {  	[smem:$0x3FB6] =	sst s0;
	s0 =	simm.s32 @!p2 $0x0  }
0x16: {  	s3 =	sld [smem:$0x3FDB];
	s0 =	simm.s32 @p2 $0x1  }
0x17: {  	s4 =	simm.s32 $0x1BF5;
	[smem:$0x3FB8] =	sst s0  }
0x18: {  	s0 =	sld [smem:$0x3F9B];
	_ =	swait.ge [sflag:s4], $0x0  }
0x19: {  	s7 =	sld [smem:$0x3F9C]  }
0x1a: {  	s8 =	sadd.s32 $0xFFFFE003, lr  }
0x1b: {  	s9 =	sadd.s32 $0xFFFFFEF7, lr;
	s5 =	simm.s32 $0xFFFFFFFF;
	p2 =	slt.u32 s8, $0xFFFFF086  }
0x1c: {  	p1 =	slt.u32 s9, $0xF7A;
	s5 =	simm.s32 @!p2 $0x0  }
0x1d: {  	s5 =	simm.s32 @p1 $0x1;
	p0 =	seq.s32 s7, s2  }
0x1e: {  	s7 =	smul.u32 @!p0 $0xF7A, s2;
	p2 =	seq.s32 @!p0 s5, $0x0  }
0x1f: {  	s9 =	smul.u32 $0xF7A, s1;
	s8 =	simm.s32 @!p0 $0x1BF5;
	p2 =	por !p2, p0  }
0x20: {  	[sflag:s8] =	ssyncset.s32 @!p0 $0xFFFFF086;
	s6 =	sadd.s32 @!p0 s3, s7;
	s7 =	simm.s32 @!p0 $0x108  }
0x21: {  	s3 =	sadd.s32 s3, s9;
	s6 =	sadd.s32 @!p0 $0x88, s6;
	s7 =	simm.s32 @p2 $0x1082  }
0x22: {  	[simem:s7], [sflag:s8] =	dma.local @!p0 [hbm:s6], $0xF7A  }
0x23: {  	s9 =	sor.u32 $0xD0000000, s2;
	s6 =	simm.s32 $0x108;
	_ =	swait.ge @!p0 [sflag:s8], $0x0  }
0x24: {  	s3 =	sadd.s32 $0x88, s3;
	s6 =	simm.s32 @!p1 $0x1082;
	[sflag:s4] =	ssyncset.s32 $0xFFFFF086  }
0x25: {  	[simem:s6], [sflag:s4] =	dma.local [hbm:s3], $0xF7A  }
0x26: {  	[smem:$0x3F9C] =	sst s1;
	(tag) =	ssettag s2;
	_ =	strace s9  }
0x27: {  	s1 =	sld [smem:$0x3FAC]  }
0x28: {  	s2 =	sld [smem:$0x3FAD]  }
0x29: {  	s4 =	sld [smem:$0x3FAF]  }
0x2a: {  	p0 =	seq.s32 s5, $0x0;
	s5 =	sld [smem:$0x3FB0]  }
0x2b: {  	s6 =	sld [smem:$0x3FB1]  }
0x2c: {  	s7 =	sld [smem:$0x3FB2]  }
0x2d: {  	s3 =	simm.s32 $0x108;
	s8 =	sld [smem:$0x3FB3]  }
0x2e: {  	s3 =	simm.s32 @!p0 $0x1082;
	s9 =	sld [smem:$0x3FB4]  }
0x2f: {  	lr =	sadd.s32 s0, s3;
	s0 =	sld [smem:$0x3FAB]  }
0x30: {  	s3 =	sld [smem:$0x3FAE]  }
0x31: {  	[smem:$0x3FB7] =	sst s10  }
0x32: {  	s10 =	sld [smem:$0x3FB5];
	_ =	sdelay $0x3  }
0x33: {  	p0 =	seq.s32 s10, $0x1;
	s10 =	sld [smem:$0x3FB7];
	_ =	sdelay $0x3  }
0x34: {  	[smem:$0x3FB7] =	sst s10  }
0x35: {  	s10 =	sld [smem:$0x3FB6];
	_ =	sdelay $0x3  }
0x36: {  	p1 =	seq.s32 s10, $0x1;
	s10 =	sld [smem:$0x3FB7];
	_ =	sdelay $0x3  }
0x37: {  	[smem:$0x3FB7] =	sst s10  }
0x38: {  	s10 =	sld [smem:$0x3FB8]  }
0x39: {  	_ = 	snop;
	(pc) =	sbr.ind lr, $3  }
0x3a: {  	_ = 	snop  }
0x3b: {  	_ = 	snop  }
0x3c: {  	p2 =	seq.s32 s10, $0x1;
	s10 =	sld [smem:$0x3FB7]  }
0x3d: {  	_ =	shalt  }
0x3e: {  	_ =	shalt  }
0x3f: {  	_ =	shalt  }
0x40: {  	_ =	shalt  }
0x41: {  	_ =	shalt  }
0x42: {  	_ =	shalt  }
0x43: {  	_ =	shalt  }
0x44: {  	_ =	shalt  }
0x45: {  	_ =	shalt  }
0x46: {  	_ =	shalt  }
0x47: {  	_ =	shalt  }
0x48: {  	_ =	shalt  }
0x49: {  	_ =	shalt  }
0x4a: {  	_ =	shalt  }
0x4b: {  	_ =	shalt  }
0x4c: {  	_ =	shalt  }
0x4d: {  	_ =	shalt  }
0x4e: {  	_ =	shalt  }
0x4f: {  	_ =	shalt  }
0x50: {  	_ =	shalt  }
0x51: {  	_ =	shalt  }
0x52: {  	_ =	shalt  }
0x53: {  	_ =	shalt  }
0x54: {  	_ =	shalt  }
0x55: {  	_ =	shalt  }
0x56: {  	_ =	shalt  }
0x57: {  	_ =	shalt  }
0x58: {  	_ =	shalt  }
0x59: {  	_ =	shalt  }
0x5a: {  	_ =	shalt  }
0x5b: {  	_ =	shalt  }
0x5c: {  	_ =	shalt  }
0x5d: {  	_ =	shalt  }
0x5e: {  	_ =	shalt  }
0x5f: {  	_ =	shalt  }
0x60: {  	_ =	shalt  }
0x61: {  	_ =	shalt  }
0x62: {  	_ =	shalt  }
0x63: {  	_ =	shalt  }
0x64: {  	_ =	shalt  }
0x65: {  	_ =	shalt  }
0x66: {  	_ =	shalt  }
0x67: {  	_ =	shalt  }
0x68: {  	_ =	shalt  }
0x69: {  	_ =	shalt  }
0x6a: {  	_ =	shalt  }
0x6b: {  	_ =	shalt  }
0x6c: {  	_ =	shalt  }
0x6d: {  	_ =	shalt  }
0x6e: {  	_ =	shalt  }
0x6f: {  	_ =	shalt  }
0x70: {  	_ =	shalt  }
0x71: {  	_ =	shalt  }
0x72: {  	_ =	shalt  }
0x73: {  	_ =	shalt  }
0x74: {  	_ =	shalt  }
0x75: {  	_ =	shalt  }
0x76: {  	_ =	shalt  }
0x77: {  	_ =	shalt  }
0x78: {  	_ =	shalt  }
0x79: {  	_ =	shalt  }
0x7a: {  	_ =	shalt  }
0x7b: {  	_ =	shalt  }
0x7c: {  	_ =	shalt  }
0x7d: {  	_ =	shalt  }
0x7e: {  	_ =	shalt  }
0x7f: {  	_ =	shalt  }
0x80: {  	_ =	shalt  }
0x81: {  	_ =	shalt  }
0x82: {  	_ =	shalt  }
0x83: {  	_ =	shalt  }
0x84: {  	_ =	shalt  }
0x85: {  	_ =	shalt  }
0x86: {  	_ =	shalt  }
0x87: {  	_ =	shalt  }
.Lfunc_end0:
.L_simem_size_0:
called_computation.4_lowered:
.L_overlay_start_0:
0x88: {  	s2 =	sld [smem:$0x3FD9]  }
0x89: {  	s3 =	sld [smem:$0x3FFE];
	_ =	sdelay $0x1  }
0x8a: {  	s1 =	srdreg.scid  }
0x8b: {  	s0 =	sand.u32 $0x1, s1  }
0x8c: {  	s17 =	sshll.u32 s0, $0xA;
	s2 =	sadd.s32 s3, s2  }
0x8d: {  	s2 =	sadd.s32 s2, s17  }
0x8e: {  	[smem:$0x3FC3] =	sst s2  }
0x8f: {  	_ = 	snop  }
0x90: {  	(tm) =	ssettm $0x1  }
0x91: {  	s18 =	sld [smem:$0x3FFB];
	_ =	sdelay $0x3  }
0x92: {  	_ =	strace s18  }
0x93: {  	s2 =	sld [smem:$0x3FFC];
	_ =	sdelay $0x3  }
0x94: {  	_ =	strace s2  }
0x95: {  	s2 =	sld [smem:$0x3FFD];
	_ =	sdelay $0x3  }
0x96: {  	_ =	strace s2  }
0x97: {  	_ =	strace $0x8FFFFFFF  }
0x98: {  	s19 =	sld [smem:$0x3FDB];
	_ =	sdelay $0x1  }
0x99: {  	s20 =	simm.s32 $_scs_section_size  }
0x9a: {  	s4 =	simm.s32 $_size__tile_overlayer_lowered;
	s5 =	simm.s32 $_tile_overlayer_lowered  }
0x9b: {  	s6 =	simm.s32 $0x1BFF;
	s21 =	sshll.u32 s5, $0x1;
	s3 =	sadd.s32 s20, s19  }
0x9c: {  	s22 =	simm.s32 $0x0;
	s4 =	sshll.u32 s4, $0x1;
	s5 =	sadd.s32 s21, s3  }
0x9d: {  	[timem:s22], [sflag:s6] =	dma.local [hbm:s5], s4  }
0x9e: {  	_ =	swait.ge [sflag:s6], s4  }
0x9f: {  	s4 =	ssub.s32 $0x0, s4;
	[sflag:s6] =	ssyncset.done $0x0  }
0xa0: {  	[sflag:s6] =	ssyncadd.s32 s4;
	_ =	sdelay $0x1  }
0xa1: {  	s23 =	simm.s32 $0x1B8B  }
0xa2: {  	_ =	swait.ge [sflag:s23], $0x1  }
0xa3: {  	[sflag:s23] =	ssyncset.done $0x0  }
0xa4: {  	[sflag:s23] =	ssyncadd.s32 $0xFFFFFFFF  }
0xa5: {  	s4 =	sld [smem:$0x0]  }
0xa6: {  	s5 =	sand.u32 $0xFFFFFFFE, s1  }
0xa7: {  	p0 =	sne.s32 s1, s5  }
0xa8: {  	s5 =	sshll.u32 @p0 s5, $0xE  }
0xa9: {  	s5 =	sadd.s32 @p0 $0x11B8D, s5;
	s6 =	sshll.u32 @p0 s4, $0x11  }
0xaa: {  	s5 =	sor.u32 @p0 s6, s5  }
0xab: {  	[sflag:s5] =	ssyncadd.remote.s32 @p0 $0x1;
	_ =	sdelay $0x1  }
0xac: {  	s5 =	simm.s32 @p0 $0x1B8D  }
0xad: {  	_ =	swait.eq @p0 [sflag:s5], $0x1  }
0xae: {  	[sflag:s5] =	ssyncadd.s32 @p0 $0xFFFFFFFF  }
0xaf: {  	s6 =	sshll.u32 @!p0 s1, $0xE  }
0xb0: {  	s6 =	sor.u32 @!p0 $0x4000, s6;
	s5 =	simm.s32 @!p0 $0x1B8D  }
0xb1: {  	s4 =	sshll.u32 @!p0 s4, $0x11;
	s6 =	sadd.s32 @!p0 $0x11B8D, s6;
	_ =	swait.eq @!p0 [sflag:s5], $0x1  }
0xb2: {  	s4 =	sor.u32 @!p0 s4, s6;
	[sflag:s5] =	ssyncadd.s32 @!p0 $0xFFFFFFFF  }
0xb3: {  	s25 =	simm.s32 $0x1B8E;
	s24 =	sld [smem:$0x3FFE];
	[sflag:s4] =	ssyncadd.remote.s32 @!p0 $0x1  }
0xb4: {  	s26 =	simm.s32 $execute0_lowered;
	[smem:$0x3FD2] =	sst s25  }
0xb5: {  	s5 =	sshll.u32 s26, $0x1;
	_ =	strace $0x80000049;
	[dreg:$0x1] =	wrdreg $0xFFFFFFFF  }
0xb6: {  	s28 =	simm.s32 $_size_execute0_lowered;
	s3 =	sadd.s32 s3, s5;
	[dreg:$0x0] =	wrdreg $0x0  }
0xb7: {  	s5 =	sshll.u32 s28, $0x1;
	[dreg:$0x2] =	wrdreg s3  }
0xb8: {  	[dreg:$0x3] =	wrdreg s5  }
0xb9: {  	[dreg:$0x4] =	wrdreg $0xC0  }
0xba: {  	_ =	task [dreg:s22], $0x5FFFF  }
0xbb: {  	[dreg:$0x1] =	wrdreg $0xFFFFFFFF  }
0xbc: {  	[dreg:$0x0] =	wrdreg $0x60  }
0xbd: {  	[dreg:$0x2] =	wrdreg s24  }
0xbe: {  	[dreg:$0x3] =	wrdreg $0xD  }
0xbf: {  	_ =	task.clear_ibuf [dreg:s22], $0x4FFFF;
	_ =	strace $0x90000049  }
0xc0: {  	s29 =	simm.s32 $0xD;
	_ =	strace $0x8000004B  }
0xc1: {  	_ =	swait.ge [sflag:s29], $0x1  }
0xc2: {  	[sflag:s29] =	ssyncadd.s32 $0xFFFFFFFF  }
0xc3: {  	_ =	strace $0x9000004B  }
0xc4: {  	_ =	sfence  }
0xc5: {  	s30 =	sld [smem:$0x0];
	_ =	sdelay $0x2  }
0xc6: {  	s31 =	sshll.u32 s1, $0xD;
	s1 =	sshrl.u32 s1, $0x2  }
0xc7: {  	s4 =	sand.u32 $0x4000, s31;
	s1 =	sadd.s32 s1, s30  }
0xc8: {  	s0 =	sor.u32 s4, s0;
	s1 =	sshll.u32 s1, $0x11  }
0xc9: {  	s0 =	sor.u32 s1, s0  }
0xca: {  	s0 =	sadd.s32 $0x8F2B, s0  }
0xcb: {  	[sflag:s0] =	ssyncadd.remote.s32 $0x1  }
0xcc: {  	_ =	sfence.sel $0xFFFF  }
0xcd: {  	[dreg:$0x0] =	wrdreg $0xFFFFFFFF;
	(pc) =	sbr.abs _section_cstart, $3  }
0xce: {  	[dreg:$0x1] =	wrdreg $0xFFFFFFFF  }
0xcf: {  	_ =	task.clear_ibuf [dreg:s22], $0x2FFFF;
	_ =	strace $0x9FFFFFFF  }
0xd0: {  	(tm) =	ssettm $0x7FFFFFFF  }
0xd1: {  	_ =	shalt  }
tec
execute0_lowered:
.L_overlay_start_1:
0x0: {  	(tag) =	ssettag $0x1  }
0x1: {  	s1 =	srdreg.scid  }
0x2: {  	s0 =	stileid.u32;
	s5 =	rddreg [dreg:$0x0];
	s6 =	sand.u32 $0x1, s1  }
0x3: {  	s2 =	simm.s32 $0x0;
	s3 =	sshll.u32 s0, $0xD;
	s4 =	sshll.u32 s6, $0xC  }
0x4: {  	[smem:$0x7FF] =	sst s2;
	s3 =	sor.u32 s4, s3  }
0x5: {  	s1 =	rddreg [dreg:$0x1];
	_ =	strace $0x8000004A;
	s8 =	sadd.s32 s3, s5  }
0x6: {  	s9 =	ssub.s32 $0x2, s6;
	s3 =	simm.s32 $0x2;
	s4 =	sadd.s32 $0x65EE00, s8  }
0x7: {  	[tilespmem:s2], [sflag:$0x2] =	stream.linear.gather [hbm4b:s4+s2], $0x8000, $0x38;
	[tilespmem:$0x10000] =	vst v63  }
0x8: {  	s7 =	simm.s32 $0x1;
	s10 =	sshrl.u32 s9, $0x1;
	_ =	swait.ge [sflag:s3], $0x8000  }
0x9: {  	s6 =	simm.s32 $0x8000;
	s9 =	ssub.s32 s9, s10;
	[sflag:s3] =	ssyncset.done $0x0  }
0xa: {  	s5 =	sadd.s32 $0x351A00, s5;
	s9 =	smax.u32 s9, $0x1;
	[sflag:s3] =	ssyncadd.s32 $0xFFFF8000  }
0xb: {  	[tilespmem:s6], [sflag:$0x1] =	stream.indirect.gather [hbm4b:s5+s6], $0x1, s2, s6, $0xb8;
	[tilespmem:$0x10000] =	vst v63  }
0xc: {  	p0 =	sne.s32 s9, $0x1;
	_ =	swait.ge [sflag:s7], $0x8000  }
.Ltmp0:
0xd: {  	[sflag:s7] =	ssyncset.done $0x0;
	(pc) =	sbr.rel @!p0 .LBB2_2-.Ltmp0, $4  }
0xe: {  	s8 =	sadd.s32 $0x67EE00, s8;
	[sflag:s7] =	ssyncadd.s32 $0xFFFF8000  }
0xf: {  	[hbm4b:s8+s2] =	stream.linear.scatter [tilespmem:s6], [sflag:$0x2], $0x8000, $0x38;
	[tilespmem:$0x10000] =	vst v63  }
0x10: {  	_ =	swait.ge [sflag:s3], $0x8000  }
0x11: {  	s9 =	sadd.s32 $0xFFFFFFFF, s9;
	[sflag:s3] =	ssyncset.done $0x0  }
.LBB2_1:
0x12: {  	p0 =	sne.s32 s9, $0x1;
	s9 =	sadd.s32 $0xFFFFFFFF, s9;
	[sflag:s3] =	ssyncadd.s32 $0xFFFF8000  }
0x13: {  	[tilespmem:s2], [sflag:$0x2] =	stream.linear.gather [hbm4b:s4+s2], $0x8000, $0x38;
	[tilespmem:$0x10000] =	vst v63  }
0x14: {  	_ =	swait.ge [sflag:s3], $0x8000  }
0x15: {  	[sflag:s3] =	ssyncset.done $0x0  }
0x16: {  	[sflag:s3] =	ssyncadd.s32 $0xFFFF8000  }
0x17: {  	[tilespmem:s6], [sflag:$0x1] =	stream.indirect.gather [hbm4b:s5+s6], $0x1, s2, s6, $0xb8;
	[tilespmem:$0x10000] =	vst v63  }
0x18: {  	_ =	swait.ge [sflag:s7], $0x8000  }
.Ltmp1:
0x19: {  	[sflag:s7] =	ssyncset.done $0x0;
	(pc) =	sbr.rel @p0 .LBB2_1-.Ltmp1, $4  }
0x1a: {  	[sflag:s7] =	ssyncadd.s32 $0xFFFF8000  }
0x1b: {  	[hbm4b:s8+s2] =	stream.linear.scatter [tilespmem:s6], [sflag:$0x2], $0x8000, $0x38;
	[tilespmem:$0x10000] =	vst v63  }
0x1c: {  	_ =	swait.ge [sflag:s3], $0x8000  }
0x1d: {  	[sflag:s3] =	ssyncset.done $0x0  }
.LBB2_2:
0x1e: {  	[sflag:s3] =	ssyncadd.s32 $0xFFFF8000  }
0x1f: {  	_ =	sfence.sel $0x180000  }
0x20: {  	[bflag:$0x0] =	sbarrier.arrive $0xFFFF  }
0x21: {  	p0 =	sne.s32 s0, $0x0;
	_ =	strace $0x9000004A  }
0x22: {  	s0 =	sadd.s32 @!p0 $0x100000, s1;
	[bflag:$0x2] =	sbarrier.arrive $0xFFFF  }
0x23: {  	[sflag:s0] =	ssyncadd.tile.s32 @!p0 $0x1;
	_ =	shalt  }
.Lfunc_end2:
_tile_overlayer_lowered:
.L_overlay_start_2:
0x24: {  	(tag) =	ssettag $0x2  }
0x25: {  	s0 =	rddreg [dreg:$0x0];
	s2 =	stileid.u32  }
0x26: {  	s1 =	rddreg [dreg:$0x1];
	p0 =	sne.s32 s2, $0x0  }
0x27: {  	s3 =	rddreg [dreg:$0x2];
	[bflag:$0x3] =	sbarrier.arrive $0xFFFF;
	s2 =	simm.s32 @!p0 $0x1C02  }
0x28: {  	[timem:s3], [sflag:s2] =	dma.local @!p0 [hbm:s0], s1  }
0x29: {  	s0 =	simm.s32 @!p0 $0x2  }
0x2a: {  	_ =	swait.ge @!p0 [sflag:s0], s1  }
0x2b: {  	s1 =	ssub.s32 @!p0 $0x0, s1;
	[sflag:s0] =	ssyncset.done @!p0 $0x0  }
0x2c: {  	[sflag:s0] =	ssyncadd.s32 @!p0 s1  }
0x2d: {  	[bflag:$0x3] =	sbarrier.arrive $0xFFFF  }
0x2e: {  	_ =	shalt  }

</sc_bundles>
